<compile_context>
chip_gen: v7x
topology: tpu7x:2x2x1
jax: 0.10.2.dev20260603
libtpu: 0.0.44.dev20260713+nightly
codegen_flags: <defaults>
</compile_context>

<pallas_src>
import jax
import jax.numpy as jnp
from jax.experimental import pallas as pl
from jax.experimental.pallas import tpu as pltpu
from jax.experimental.pallas import tpu_sc as plsc

B = 16384
V = 1000000
D = 64
H1 = 128
H2 = 64
BN_EPS = 1e-3

_COLS = 8192
_PAIRED = ((V + 4 * _COLS - 1) // (4 * _COLS)) * _COLS
_WINDOW = 256
_ROWS = 2048

_TDOT = (((0,), (0,)), ((), ()))


def _relayout_body(x_ref, o_ref):
    def tbits(x):
        xt = jnp.swapaxes(x.astype(jnp.bfloat16), 0, 1).astype(jnp.float32)
        return jax.lax.bitcast_convert_type(xt, jnp.int32)

    x = x_ref[...]
    pa = tbits(x[:, :_COLS])
    pb = tbits(x[:, _COLS:2 * _COLS])
    pc = tbits(x[:, 2 * _COLS:3 * _COLS])
    pd = tbits(x[:, 3 * _COLS:])
    o_ref[:, :D] = jax.lax.shift_right_logical(pa, 16) | (pb & jnp.int32(-65536))
    o_ref[:, D:] = jax.lax.shift_right_logical(pc, 16) | (pd & jnp.int32(-65536))


def _tc_relayout(tT):
    nb = pl.cdiv(_PAIRED, _COLS)
    return pl.pallas_call(
        _relayout_body,
        grid=(nb,),
        in_specs=[
            pl.BlockSpec((D, 4 * _COLS), lambda j: (0, j)),
        ],
        out_specs=pl.BlockSpec((_COLS, 2 * D), lambda j: (j, 0)),
        out_shape=jax.ShapeDtypeStruct((_PAIRED, 2 * D), jnp.int32),
        compiler_params=pltpu.CompilerParams(
            vmem_limit_bytes=60 * 1024 * 1024),
    )(tT)


def _sc_gather(table2, idx2d):
    mesh = plsc.VectorSubcoreMesh(core_axis_name="core", subcore_axis_name="subcore")

    @pl.kernel(out_type=jax.ShapeDtypeStruct((B, 2 * D), table2.dtype), mesh=mesh)
    def gather_kernel(t_hbm, i_hbm, o_hbm):
        def body(i_vmem, o_vmem):
            pltpu.sync_copy(t_hbm.at[i_vmem.at[0]], o_vmem)

        pltpu.emit_pipeline(
            body,
            grid=(B // _WINDOW,),
            in_specs=[pl.BlockSpec((1, _WINDOW), lambda i: (0, i))],
            out_specs=[pl.BlockSpec((_WINDOW, 2 * D), lambda i: (i, 0))],
            core_axis_name=("core", "subcore"),
            dimension_semantics=(pltpu.PARALLEL,),
        )(i_hbm, o_hbm)

    return gather_kernel(table2, idx2d)


def _mlp_body(g_ref, q_ref, w1_ref, b1_ref, w2_ref, b2_ref, w3_ref, b3_ref, eyef_ref, o_ref):
    g = g_ref[...]
    q = q_ref[...].astype(jnp.float32)
    s = jnp.where(q < 2, g[:, :D], g[:, D:])
    t = jnp.where((q == 0) | (q == 2), s << 16, s & jnp.int32(-65536))
    x = jax.lax.bitcast_convert_type(t, jnp.float32)
    h = jnp.dot(x, w1_ref[...], preferred_element_type=jnp.float32)
    h = jnp.maximum(h + b1_ref[...], 0.0)
    h = jnp.dot(h, w2_ref[...], preferred_element_type=jnp.float32)
    h = jnp.maximum(h + b2_ref[...], 0.0)
    y = jnp.dot(h, w3_ref[...], preferred_element_type=jnp.float32) + b3_ref[...]
    sq = jnp.sum(y * y, axis=1, keepdims=True)
    y = y * jax.lax.rsqrt(jnp.maximum(sq, 1e-12))
    o_ref[...] = jax.lax.dot_general(
        eyef_ref[...], y, (((1,), (1,)), ((), ())),
        preferred_element_type=jnp.float32)


def _tc_mlp(g, q, W1, b1, W2, b2, W3, b3, eyef):
    return pl.pallas_call(
        _mlp_body,
        grid=(B // _ROWS,),
        in_specs=[
            pl.BlockSpec((_ROWS, 2 * D), lambda i: (i, 0)),
            pl.BlockSpec((_ROWS, 1), lambda i: (i, 0)),
            pl.BlockSpec((D, H1), lambda i: (0, 0)),
            pl.BlockSpec((1, H1), lambda i: (0, 0)),
            pl.BlockSpec((H1, H2), lambda i: (0, 0)),
            pl.BlockSpec((1, H2), lambda i: (0, 0)),
            pl.BlockSpec((H2, D), lambda i: (0, 0)),
            pl.BlockSpec((1, D), lambda i: (0, 0)),
            pl.BlockSpec((D, D), lambda i: (0, 0)),
        ],
        out_specs=pl.BlockSpec((D, _ROWS), lambda i: (0, i)),
        out_shape=jax.ShapeDtypeStruct((D, B), jnp.float32),
    )(g, q, W1, b1, W2, b2, W3, b3, eyef)


def kernel(item_id, table, W1, b1, g1, bt1, m1, v1, W2, b2, g2, bt2, m2, v2, W3, b3):
    idx = item_id.astype(jnp.int32)
    tT = jnp.swapaxes(table, 0, 1)
    table2 = _tc_relayout(tT)

    rem = idx % (4 * _COLS)
    q = rem // _COLS
    k = (idx // (4 * _COLS)) * _COLS + (rem % _COLS)
    g = _sc_gather(table2, k.reshape(1, B))
    qf = q.astype(jnp.bfloat16).reshape(B, 1)

    a1 = g1 * jax.lax.rsqrt(v1 + BN_EPS)
    c1 = bt1 - m1 * a1
    W2f = a1[:, None] * W2
    b2f = b2 + c1 @ W2
    a2 = g2 * jax.lax.rsqrt(v2 + BN_EPS)
    c2 = bt2 - m2 * a2
    W3f = a2[:, None] * W3
    b3f = b3 + c2 @ W3

    yT = _tc_mlp(g, qf, W1, b1.reshape(1, H1), W2f, b2f.reshape(1, H2),
                 W3f, b3f.reshape(1, D), jnp.eye(D, dtype=jnp.float32))
    return jnp.swapaxes(yT, 0, 1)

# --- scband reference (transcript-rebuilt; emitter-appended) ---
"""Pipeline reference for scband-item-tower-17119739642241 (READ-ONLY COPY).

The authoritative reference and input builder live on the scoring server;
editing this copy changes nothing except your own understanding.
"""

import jax, jax.numpy as jnp
import numpy as np

B = 16384
V = 1000000
D = 64
H1 = 128
H2 = 64
BN_EPS = 1e-3


def setup_inputs(seed: int = 0) -> dict:
    key = jax.random.key(seed)
    ks = jax.random.split(key, 12)
    item_id = jax.random.randint(ks[0], (B,), 0, V)
    table = jax.random.normal(ks[1], (V, D), dtype=jnp.float32) * 0.05
    W1 = jax.random.normal(ks[2], (D, H1), dtype=jnp.float32) * 0.05
    b1 = jnp.zeros((H1,), dtype=jnp.float32)
    g1 = jnp.ones((H1,), dtype=jnp.float32)
    bt1 = jnp.zeros((H1,), dtype=jnp.float32)
    m1 = jax.random.normal(ks[3], (H1,), dtype=jnp.float32) * 0.05
    v1 = jax.random.uniform(ks[4], (H1,), dtype=jnp.float32, minval=0.5, maxval=1.5)
    W2 = jax.random.normal(ks[5], (H1, H2), dtype=jnp.float32) * 0.05
    b2 = jnp.zeros((H2,), dtype=jnp.float32)
    g2 = jnp.ones((H2,), dtype=jnp.float32)
    bt2 = jnp.zeros((H2,), dtype=jnp.float32)
    m2 = jax.random.normal(ks[6], (H2,), dtype=jnp.float32) * 0.05
    v2 = jax.random.uniform(ks[7], (H2,), dtype=jnp.float32, minval=0.5, maxval=1.5)
    W3 = jax.random.normal(ks[8], (H2, D), dtype=jnp.float32) * 0.05
    b3 = jnp.zeros((D,), dtype=jnp.float32)
    return {"item_id": item_id, "table": table,
            "W1": W1, "b1": b1, "g1": g1, "bt1": bt1, "m1": m1, "v1": v1,
            "W2": W2, "b2": b2, "g2": g2, "bt2": bt2, "m2": m2, "v2": v2,
            "W3": W3, "b3": b3}


def reference(item_id, table, W1, b1, g1, bt1, m1, v1, W2, b2, g2, bt2, m2, v2, W3, b3):
    # Embedding lookup
    x = jnp.take(table, item_id, axis=0)
    # Dense 128 + ReLU
    x = jax.nn.relu(x @ W1 + b1)
    # BatchNorm (inference mode, training=False -> use moving stats)
    x = (x - m1) * jax.lax.rsqrt(v1 + BN_EPS) * g1 + bt1
    # Dropout is identity at inference
    # Dense 64 + ReLU
    x = jax.nn.relu(x @ W2 + b2)
    x = (x - m2) * jax.lax.rsqrt(v2 + BN_EPS) * g2 + bt2
    # Output projection
    x = x @ W3 + b3
    # tf.nn.l2_normalize(x, axis=1)
    sq = jnp.sum(x * x, axis=1, keepdims=True)
    x = x * jax.lax.rsqrt(jnp.maximum(sq, 1e-12))
    return x

if __name__ == "__main__":
    import jax
    _d = setup_inputs()
    print(jax.jit(kernel)(*tuple(_d.values())))

</pallas_src>

<mosaic_0001>
#map = affine_map<(d0, d1) -> (0, 0)>
module attributes {stable_mosaic.version = 14 : i64} {
  func.func @gather_kernel(%arg0: i32, %arg1: i32, %arg2: memref<253952x128xi32, #tpu.memory_space<hbm>>, %arg3: memref<1x16384xi32, #tpu.memory_space<hbm>>, %arg4: memref<16384x128xi32, #tpu.memory_space<hbm>>) attributes {dimension_semantics = [#tpu.dimension_semantics<core_parallel>, #tpu.dimension_semantics<subcore_parallel>], iteration_bounds = array<i64: 2, 16>, scalar_prefetch = 0 : i64, scratch_operands = 0 : i64, tpu.core_type = #tpu.core_type<sc_vector_subcore>, window_params = [{transform_indices = #map}, {transform_indices = #map}, {transform_indices = #map}]} {
    %mul3A = arith.constant 1 : i32
    %mul3A_0 = arith.muli %arg1, %mul3A : i32
    %add3A = arith.constant 0 : i32
    %add3A_1 = arith.addi %add3A, %mul3A_0 : i32
    %mul3A_2 = arith.constant 16 : i32
    %mul3A_3 = arith.muli %arg0, %mul3A_2 : i32
    %add3A_4 = arith.addi %add3A_1, %mul3A_3 : i32
    %mul3A_5 = arith.constant 2 : i32
    %mul3A_6 = arith.muli %add3A_4, %mul3A_5 : i32
    "tpu.region"() ({
      %run_scoped3A = memref.alloca() : memref<2x1x256xi32, #tpu.memory_space<vmem>>
      %run_scoped3A_7 = tpu.sem_alloc : memref<2x!tpu.dma_semaphore, #tpu.memory_space<semaphore_mem>>
      %run_scoped3A_8 = memref.alloca() : memref<2x256x128xi32, #tpu.memory_space<vmem>>
      %run_scoped3A_9 = tpu.sem_alloc : memref<2x!tpu.dma_semaphore, #tpu.memory_space<semaphore_mem>>
      %add3A_10 = arith.constant 0 : i32
      %add3A_11 = arith.addi %add3A_10, %mul3A_6 : i32
      %select_n3A = arith.constant true
      %select_n3A_12 = arith.constant 0 : i32
      %select_n3A_13 = arith.constant -1 : i32
      %select_n3A_14 = arith.select %select_n3A, %select_n3A_13, %select_n3A_12 : i32
      %eq3A = arith.constant -1 : i32
      %eq3A_15 = arith.cmpi eq, %select_n3A_14, %eq3A : i32
      %select_n3A_16 = arith.constant 1 : i32
      %select_n3A_17 = arith.select %eq3A_15, %select_n3A_16, %select_n3A_14 : i32
      %add3A_18 = arith.addi %select_n3A_17, %mul3A_6 : i32
      %select_n3A_19 = arith.constant true
      %select_n3A_20 = arith.constant 0 : i32
      %select_n3A_21 = arith.constant 1 : i32
      %select_n3A_22 = arith.select %select_n3A_19, %select_n3A_21, %select_n3A_20 : i32
      %eq3A_23 = arith.constant 2 : i32
      %eq3A_24 = arith.cmpi eq, %select_n3A_22, %eq3A_23 : i32
      %select_n3A_25 = arith.constant 0 : i32
      %select_n3A_26 = arith.select %eq3A_24, %select_n3A_25, %select_n3A_22 : i32
      %add3A_27 = arith.addi %select_n3A_26, %mul3A_6 : i32
      %add3A_28 = arith.constant 1 : i32
      %add3A_29 = arith.addi %select_n3A_26, %add3A_28 : i32
      %select_n3A_30 = arith.constant true
      %select_n3A_31 = arith.select %select_n3A_30, %add3A_29, %select_n3A_26 : i32
      %eq3A_32 = arith.constant 2 : i32
      %eq3A_33 = arith.cmpi eq, %select_n3A_31, %eq3A_32 : i32
      %select_n3A_34 = arith.constant 0 : i32
      %select_n3A_35 = arith.select %eq3A_33, %select_n3A_34, %select_n3A_31 : i32
      %add3A_36 = arith.addi %select_n3A_35, %mul3A_6 : i32
      "tpu.trace_start"() <{level = 10 : i32, message = "ep_initialize_0"}> : () -> ()
      %rem3A = arith.constant 0 : i32
      %rem3A_37 = arith.constant 2 : i32
      %rem3A_38 = arith.remui %rem3A, %rem3A_37 : i32
      %mul3A_39 = arith.constant 256 : i32
      %mul3A_40 = arith.muli %mul3A_39, %add3A_11 : i32
      %dma_start3A = arith.constant 0 : i32
      %dma_start3A_41 = arith.constant 0 : i32
      %dma_start3A_42 = tpu.memref_slice %run_scoped3A[%rem3A_38, %dma_start3A, %dma_start3A_41] : memref<2x1x256xi32, #tpu.memory_space<vmem>> -> memref<1x1x256xi32, #tpu.memory_space<vmem>>
      %dma_start3A_43 = tpu.memref_squeeze %dma_start3A_42 : memref<1x1x256xi32, #tpu.memory_space<vmem>> -> memref<1x256xi32, #tpu.memory_space<vmem>>
      %dma_start3A_44 = arith.constant 0 : i32
      %dma_start3A_45 = tpu.memref_slice %arg3[%dma_start3A_44, %mul3A_40] : memref<1x16384xi32, #tpu.memory_space<hbm>> -> memref<1x256xi32, #tpu.memory_space<hbm>>
      %dma_start3A_46 = tpu.memref_slice %run_scoped3A_7[%rem3A_38] : memref<2x!tpu.dma_semaphore, #tpu.memory_space<semaphore_mem>> -> memref<1x!tpu.dma_semaphore, #tpu.memory_space<semaphore_mem>>
      %dma_start3A_47 = tpu.memref_squeeze %dma_start3A_46 : memref<1x!tpu.dma_semaphore, #tpu.memory_space<semaphore_mem>> -> memref<!tpu.dma_semaphore, #tpu.memory_space<semaphore_mem>>
      %dma_start3A_48 = arith.constant 0 : i32
      %dma_start3A_49 = arith.constant 0 : i32
      %dma_start3A_50 = tpu.memref_slice %run_scoped3A[%rem3A_38, %dma_start3A_48, %dma_start3A_49] : memref<2x1x256xi32, #tpu.memory_space<vmem>> -> memref<1x1x256xi32, #tpu.memory_space<vmem>>
      %dma_start3A_51 = tpu.memref_squeeze %dma_start3A_50 : memref<1x1x256xi32, #tpu.memory_space<vmem>> -> memref<1x256xi32, #tpu.memory_space<vmem>>
      %dma_start3A_52 = arith.constant 0 : i32
      %dma_start3A_53 = tpu.memref_slice %arg3[%dma_start3A_52, %mul3A_40] : memref<1x16384xi32, #tpu.memory_space<hbm>> -> memref<1x256xi32, #tpu.memory_space<hbm>>
      tpu.enqueue_dma source(%dma_start3A_53 : memref<1x256xi32, #tpu.memory_space<hbm>>) target(%dma_start3A_51 : memref<1x256xi32, #tpu.memory_space<vmem>>) target_semaphore(%dma_start3A_47 : memref<!tpu.dma_semaphore, #tpu.memory_space<semaphore_mem>>)
      %add3A_54 = arith.constant 0 : i32
      %add3A_55 = arith.constant 1 : i32
      %add3A_56 = arith.addi %add3A_54, %add3A_55 : i32
      %select_n3A_57 = arith.constant true
      %select_n3A_58 = arith.constant 0 : i32
      %select_n3A_59 = arith.select %select_n3A_57, %add3A_56, %select_n3A_58 : i32
      "tpu.trace_stop"() : () -> ()
      %scan3A = arith.constant 0 : i32
      %scan3A_60 = arith.constant 0 : i32
      %scan3A_61 = arith.constant 0 : i32
      %scan3A_62 = arith.constant 0 : i32
      %scan3A_63 = arith.constant 0 : i32
      %scan3A_64 = arith.constant 2 : i32
      %scan3A_65 = arith.addi %scan3A_63, %scan3A_64 : i32
      %scan3A_66 = arith.constant 1 : i32
      %scan3A_67:5 = scf.for %scan3A_121 = %scan3A_63 to %scan3A_65 step %scan3A_66 iter_args(%scan3A_122 = %select_n3A_59, %scan3A_123 = %scan3A, %scan3A_124 = %scan3A_60, %scan3A_125 = %scan3A_61, %scan3A_126 = %scan3A_62) -> (i32, i32, i32, i32, i32)  : i32 {
        %eq3A_127 = arith.constant 0 : i32
        %eq3A_128 = arith.cmpi eq, %scan3A_121, %eq3A_127 : i32
        %eq3A_129 = arith.constant 1 : i32
        %eq3A_130 = arith.cmpi eq, %scan3A_121, %eq3A_129 : i32
        %add3A_131 = arith.addi %scan3A_126, %mul3A_6 : i32
        %sub3A_132 = arith.constant 1 : i32
        %sub3A_133 = arith.subi %scan3A_126, %sub3A_132 : i32
        %select_n3A_134 = arith.constant true
        %select_n3A_135 = arith.select %select_n3A_134, %sub3A_133, %scan3A_126 : i32
        %eq3A_136 = arith.constant -1 : i32
        %eq3A_137 = arith.cmpi eq, %select_n3A_135, %eq3A_136 : i32
        %select_n3A_138 = arith.constant 1 : i32
        %select_n3A_139 = arith.select %eq3A_137, %select_n3A_138, %select_n3A_135 : i32
        %add3A_140 = arith.addi %select_n3A_139, %mul3A_6 : i32
        %add3A_141 = arith.constant 1 : i32
        %add3A_142 = arith.addi %scan3A_126, %add3A_141 : i32
        %select_n3A_143 = arith.constant true
        %select_n3A_144 = arith.select %select_n3A_143, %add3A_142, %scan3A_126 : i32
        %eq3A_145 = arith.constant 2 : i32
        %eq3A_146 = arith.cmpi eq, %select_n3A_144, %eq3A_145 : i32
        %select_n3A_147 = arith.constant 0 : i32
        %select_n3A_148 = arith.select %eq3A_146, %select_n3A_147, %select_n3A_144 : i32
        %add3A_149 = arith.addi %select_n3A_148, %mul3A_6 : i32
        %add3A_150 = arith.constant 1 : i32
        %add3A_151 = arith.addi %select_n3A_148, %add3A_150 : i32
        %select_n3A_152 = arith.constant true
        %select_n3A_153 = arith.select %select_n3A_152, %add3A_151, %select_n3A_148 : i32
        %eq3A_154 = arith.constant 2 : i32
        %eq3A_155 = arith.cmpi eq, %select_n3A_153, %eq3A_154 : i32
        %select_n3A_156 = arith.constant 0 : i32
        %select_n3A_157 = arith.select %eq3A_155, %select_n3A_156, %select_n3A_153 : i32
        %add3A_158 = arith.addi %select_n3A_157, %mul3A_6 : i32
        %ne3A = arith.cmpi ne, %add3A_131, %add3A_149 : i32
        %or3A = arith.constant false
        %or3A_159 = arith.ori %or3A, %ne3A : i1
        %ge3A = arith.constant 1 : i32
        %ge3A_160 = arith.cmpi sge, %scan3A_121, %ge3A : i32
        %not3A = arith.constant true
        %not3A_161 = arith.xori %ge3A_160, %not3A : i1
        %and3A = arith.andi %or3A_159, %not3A_161 : i1
        %convert_element_type3A = arith.extui %and3A : i1 to i32
        %cond3A = arith.constant 0 : i32
        %cond3A_162 = arith.cmpi ne, %convert_element_type3A, %cond3A : i32
        scf.if %cond3A_162 {
          "tpu.trace_start"() <{level = 10 : i32, message = "ep_copy_in"}> : () -> ()
          %rem3A_264 = arith.constant 2 : i32
          %rem3A_265 = arith.remui %scan3A_122, %rem3A_264 : i32
          %mul3A_266 = arith.constant 256 : i32
          %mul3A_267 = arith.muli %mul3A_266, %add3A_149 : i32
          %dma_start3A_268 = arith.constant 0 : i32
          %dma_start3A_269 = arith.constant 0 : i32
          %dma_start3A_270 = tpu.memref_slice %run_scoped3A[%rem3A_265, %dma_start3A_268, %dma_start3A_269] : memref<2x1x256xi32, #tpu.memory_space<vmem>> -> memref<1x1x256xi32, #tpu.memory_space<vmem>>
          %dma_start3A_271 = tpu.memref_squeeze %dma_start3A_270 : memref<1x1x256xi32, #tpu.memory_space<vmem>> -> memref<1x256xi32, #tpu.memory_space<vmem>>
          %dma_start3A_272 = arith.constant 0 : i32
          %dma_start3A_273 = tpu.memref_slice %arg3[%dma_start3A_272, %mul3A_267] : memref<1x16384xi32, #tpu.memory_space<hbm>> -> memref<1x256xi32, #tpu.memory_space<hbm>>
          %dma_start3A_274 = tpu.memref_slice %run_scoped3A_7[%rem3A_265] : memref<2x!tpu.dma_semaphore, #tpu.memory_space<semaphore_mem>> -> memref<1x!tpu.dma_semaphore, #tpu.memory_space<semaphore_mem>>
          %dma_start3A_275 = tpu.memref_squeeze %dma_start3A_274 : memref<1x!tpu.dma_semaphore, #tpu.memory_space<semaphore_mem>> -> memref<!tpu.dma_semaphore, #tpu.memory_space<semaphore_mem>>
          %dma_start3A_276 = arith.constant 0 : i32
          %dma_start3A_277 = arith.constant 0 : i32
          %dma_start3A_278 = tpu.memref_slice %run_scoped3A[%rem3A_265, %dma_start3A_276, %dma_start3A_277] : memref<2x1x256xi32, #tpu.memory_space<vmem>> -> memref<1x1x256xi32, #tpu.memory_space<vmem>>
          %dma_start3A_279 = tpu.memref_squeeze %dma_start3A_278 : memref<1x1x256xi32, #tpu.memory_space<vmem>> -> memref<1x256xi32, #tpu.memory_space<vmem>>
          %dma_start3A_280 = arith.constant 0 : i32
          %dma_start3A_281 = tpu.memref_slice %arg3[%dma_start3A_280, %mul3A_267] : memref<1x16384xi32, #tpu.memory_space<hbm>> -> memref<1x256xi32, #tpu.memory_space<hbm>>
          tpu.enqueue_dma source(%dma_start3A_281 : memref<1x256xi32, #tpu.memory_space<hbm>>) target(%dma_start3A_279 : memref<1x256xi32, #tpu.memory_space<vmem>>) target_semaphore(%dma_start3A_275 : memref<!tpu.dma_semaphore, #tpu.memory_space<semaphore_mem>>)
          "tpu.trace_stop"() : () -> ()
        } else {
        }
        %and3A_163 = arith.constant true
        %and3A_164 = arith.andi %and3A, %and3A_163 : i1
        %add3A_165 = arith.constant 1 : i32
        %add3A_166 = arith.addi %scan3A_122, %add3A_165 : i32
        %select_n3A_167 = arith.select %and3A_164, %add3A_166, %scan3A_122 : i32
        %ne3A_168 = arith.cmpi ne, %add3A_131, %add3A_149 : i32
        %or3A_169 = arith.constant false
        %or3A_170 = arith.ori %or3A_169, %ne3A_168 : i1
        %or3A_171 = arith.constant false
        %or3A_172 = arith.ori %or3A_170, %or3A_171 : i1
        %ge3A_173 = arith.constant 1 : i32
        %ge3A_174 = arith.cmpi sge, %scan3A_121, %ge3A_173 : i32
        %not3A_175 = arith.constant true
        %not3A_176 = arith.xori %ge3A_174, %not3A_175 : i1
        %and3A_177 = arith.andi %or3A_172, %not3A_176 : i1
        %ne3A_178 = arith.cmpi ne, %add3A_131, %add3A_140 : i32
        %or3A_179 = arith.constant false
        %or3A_180 = arith.ori %or3A_179, %ne3A_178 : i1
        %or3A_181 = arith.ori %or3A_180, %eq3A_128 : i1
        %convert_element_type3A_182 = arith.extui %or3A_181 : i1 to i32
        %cond3A_183 = arith.constant 0 : i32
        %cond3A_184 = arith.cmpi ne, %convert_element_type3A_182, %cond3A_183 : i32
        scf.if %cond3A_184 {
          "tpu.trace_start"() <{level = 10 : i32, message = "ep_wait_in"}> : () -> ()
          %mul3A_264 = arith.constant 256 : i32
          %mul3A_265 = arith.muli %mul3A_264, %add3A_131 : i32
          %rem3A_266 = arith.constant 2 : i32
          %rem3A_267 = arith.remui %scan3A_123, %rem3A_266 : i32
          %dma_wait3A_268 = arith.constant 0 : i32
          %dma_wait3A_269 = arith.constant 0 : i32
          %dma_wait3A_270 = tpu.memref_slice %run_scoped3A[%rem3A_267, %dma_wait3A_268, %dma_wait3A_269] : memref<2x1x256xi32, #tpu.memory_space<vmem>> -> memref<1x1x256xi32, #tpu.memory_space<vmem>>
          %dma_wait3A_271 = tpu.memref_squeeze %dma_wait3A_270 : memref<1x1x256xi32, #tpu.memory_space<vmem>> -> memref<1x256xi32, #tpu.memory_space<vmem>>
          %dma_wait3A_272 = arith.constant 0 : i32
          %dma_wait3A_273 = tpu.memref_slice %arg3[%dma_wait3A_272, %mul3A_265] : memref<1x16384xi32, #tpu.memory_space<hbm>> -> memref<1x256xi32, #tpu.memory_space<hbm>>
          %dma_wait3A_274 = tpu.memref_slice %run_scoped3A_7[%rem3A_267] : memref<2x!tpu.dma_semaphore, #tpu.memory_space<semaphore_mem>> -> memref<1x!tpu.dma_semaphore, #tpu.memory_space<semaphore_mem>>
          %dma_wait3A_275 = tpu.memref_squeeze %dma_wait3A_274 : memref<1x!tpu.dma_semaphore, #tpu.memory_space<semaphore_mem>> -> memref<!tpu.dma_semaphore, #tpu.memory_space<semaphore_mem>>
          %dma_wait3A_276 = arith.constant 0 : i32
          %dma_wait3A_277 = arith.constant 0 : i32
          %dma_wait3A_278 = tpu.memref_slice %run_scoped3A[%rem3A_267, %dma_wait3A_276, %dma_wait3A_277] : memref<2x1x256xi32, #tpu.memory_space<vmem>> -> memref<1x1x256xi32, #tpu.memory_space<vmem>>
          %dma_wait3A_279 = tpu.memref_squeeze %dma_wait3A_278 : memref<1x1x256xi32, #tpu.memory_space<vmem>> -> memref<1x256xi32, #tpu.memory_space<vmem>>
          %dma_wait3A_280 = arith.constant 0 : i32
          %dma_wait3A_281 = tpu.memref_slice %arg3[%dma_wait3A_280, %mul3A_265] : memref<1x16384xi32, #tpu.memory_space<hbm>> -> memref<1x256xi32, #tpu.memory_space<hbm>>
          tpu.wait_dma2 semaphore(%dma_wait3A_275 : memref<!tpu.dma_semaphore, #tpu.memory_space<semaphore_mem>>) src(%dma_wait3A_281 : memref<1x256xi32, #tpu.memory_space<hbm>>) dst(%dma_wait3A_279 : memref<1x256xi32, #tpu.memory_space<vmem>>)
          "tpu.trace_stop"() : () -> ()
        } else {
        }
        %ne3A_185 = arith.cmpi ne, %add3A_131, %add3A_140 : i32
        %or3A_186 = arith.constant false
        %or3A_187 = arith.ori %or3A_186, %ne3A_185 : i1
        %or3A_188 = arith.constant false
        %or3A_189 = arith.ori %or3A_187, %or3A_188 : i1
        %or3A_190 = arith.ori %or3A_189, %eq3A_128 : i1
        %convert_element_type3A_191 = arith.extui %or3A_190 : i1 to i32
        %cond3A_192 = arith.constant 0 : i32
        %cond3A_193 = arith.cmpi ne, %convert_element_type3A_191, %cond3A_192 : i32
        scf.if %cond3A_193 {
        } else {
        }
        %rem3A_194 = arith.constant 2 : i32
        %rem3A_195 = arith.remui %scan3A_123, %rem3A_194 : i32
        %rem3A_196 = arith.constant 2 : i32
        %rem3A_197 = arith.remui %scan3A_124, %rem3A_196 : i32
        %run_scoped3A_198 = arith.constant 0 : i32
        "tpu.trace_start"() <{level = 10 : i32, message = "ep_run_kernel"}> : () -> ()
        "tpu.region"() ({
          %run_scoped3A_264 = tpu.sem_alloc : memref<!tpu.dma_semaphore, #tpu.memory_space<semaphore_mem>>
          %dma_start3A_265 = arith.constant 0 : i32
          %dma_start3A_266 = arith.constant 0 : i32
          %dma_start3A_267 = tpu.memref_slice %run_scoped3A_8[%rem3A_197, %dma_start3A_265, %dma_start3A_266] : memref<2x256x128xi32, #tpu.memory_space<vmem>> -> memref<1x256x128xi32, #tpu.memory_space<vmem>>
          %dma_start3A_268 = tpu.memref_squeeze %dma_start3A_267 : memref<1x256x128xi32, #tpu.memory_space<vmem>> -> memref<256x128xi32, #tpu.memory_space<vmem>>
          %dma_start3A_269 = arith.constant 0 : i32
          %dma_start3A_270 = arith.constant 0 : i32
          %dma_start3A_271 = tpu.memref_slice %run_scoped3A[%rem3A_195, %dma_start3A_269, %dma_start3A_270] : memref<2x1x256xi32, #tpu.memory_space<vmem>> -> memref<1x1x256xi32, #tpu.memory_space<vmem>>
          %dma_start3A_272 = tpu.memref_squeeze %dma_start3A_271 : memref<1x1x256xi32, #tpu.memory_space<vmem>> -> memref<1x256xi32, #tpu.memory_space<vmem>>
          %dma_start3A_273 = arith.constant 0 : i32
          %dma_start3A_274 = tpu.memref_slice %dma_start3A_272[%run_scoped3A_198, %dma_start3A_273] : memref<1x256xi32, #tpu.memory_space<vmem>> -> memref<1x256xi32, #tpu.memory_space<vmem>>
          %dma_start3A_275 = tpu.memref_squeeze %dma_start3A_274 : memref<1x256xi32, #tpu.memory_space<vmem>> -> memref<256xi32, #tpu.memory_space<vmem>>
          %dma_start3A_276 = arith.constant 0 : i32
          %dma_start3A_277 = arith.constant 0 : i32
          %dma_start3A_278 = tpu.memref_slice %arg2[%dma_start3A_276, %dma_start3A_277] : memref<253952x128xi32, #tpu.memory_space<hbm>> -> memref<253952x128xi32, #tpu.memory_space<hbm>>
          tpu.enqueue_indirect_dma source(%dma_start3A_278 : memref<253952x128xi32, #tpu.memory_space<hbm>>) target(%dma_start3A_268 : memref<256x128xi32, #tpu.memory_space<vmem>>) offsets(%dma_start3A_275 : memref<256xi32, #tpu.memory_space<vmem>>) semaphore(%run_scoped3A_264 : memref<!tpu.dma_semaphore, #tpu.memory_space<semaphore_mem>>)
          %dma_wait3A_279 = arith.constant 0 : i32
          %dma_wait3A_280 = arith.constant 0 : i32
          %dma_wait3A_281 = tpu.memref_slice %run_scoped3A_8[%rem3A_197, %dma_wait3A_279, %dma_wait3A_280] : memref<2x256x128xi32, #tpu.memory_space<vmem>> -> memref<1x256x128xi32, #tpu.memory_space<vmem>>
          %dma_wait3A_282 = tpu.memref_squeeze %dma_wait3A_281 : memref<1x256x128xi32, #tpu.memory_space<vmem>> -> memref<256x128xi32, #tpu.memory_space<vmem>>
          %dma_wait3A_283 = arith.constant 0 : i32
          %dma_wait3A_284 = arith.constant 0 : i32
          %dma_wait3A_285 = tpu.memref_slice %run_scoped3A[%rem3A_195, %dma_wait3A_283, %dma_wait3A_284] : memref<2x1x256xi32, #tpu.memory_space<vmem>> -> memref<1x1x256xi32, #tpu.memory_space<vmem>>
          %dma_wait3A_286 = tpu.memref_squeeze %dma_wait3A_285 : memref<1x1x256xi32, #tpu.memory_space<vmem>> -> memref<1x256xi32, #tpu.memory_space<vmem>>
          %dma_wait3A_287 = arith.constant 0 : i32
          %dma_wait3A_288 = tpu.memref_slice %dma_wait3A_286[%run_scoped3A_198, %dma_wait3A_287] : memref<1x256xi32, #tpu.memory_space<vmem>> -> memref<1x256xi32, #tpu.memory_space<vmem>>
          %dma_wait3A_289 = tpu.memref_squeeze %dma_wait3A_288 : memref<1x256xi32, #tpu.memory_space<vmem>> -> memref<256xi32, #tpu.memory_space<vmem>>
          %dma_wait3A_290 = arith.constant 0 : i32
          %dma_wait3A_291 = arith.constant 0 : i32
          %dma_wait3A_292 = tpu.memref_slice %arg2[%dma_wait3A_290, %dma_wait3A_291] : memref<253952x128xi32, #tpu.memory_space<hbm>> -> memref<253952x128xi32, #tpu.memory_space<hbm>>
          tpu.wait_indirect_dma semaphore(%run_scoped3A_264 : memref<!tpu.dma_semaphore, #tpu.memory_space<semaphore_mem>>) src(%dma_wait3A_292 : memref<253952x128xi32, #tpu.memory_space<hbm>>) dst(%dma_wait3A_282 : memref<256x128xi32, #tpu.memory_space<vmem>>)
          tpu.yield
        }) : () -> ()
        "tpu.trace_stop"() : () -> ()
        %ne3A_199 = arith.cmpi ne, %add3A_131, %add3A_149 : i32
        %or3A_200 = arith.constant false
        %or3A_201 = arith.ori %or3A_200, %ne3A_199 : i1
        %or3A_202 = arith.ori %or3A_201, %eq3A_130 : i1
        %convert_element_type3A_203 = arith.extui %or3A_202 : i1 to i32
        %cond3A_204 = arith.constant 0 : i32
        %cond3A_205 = arith.cmpi ne, %convert_element_type3A_203, %cond3A_204 : i32
        scf.if %cond3A_205 {
        } else {
        }
        %and3A_206 = arith.constant false
        %and3A_207 = arith.andi %or3A_202, %and3A_206 : i1
        %ne3A_208 = arith.cmpi ne, %add3A_131, %add3A_149 : i32
        %or3A_209 = arith.constant false
        %or3A_210 = arith.ori %or3A_209, %ne3A_208 : i1
        %or3A_211 = arith.constant false
        %or3A_212 = arith.ori %or3A_210, %or3A_211 : i1
        %or3A_213 = arith.ori %or3A_212, %eq3A_130 : i1
        %convert_element_type3A_214 = arith.extui %or3A_213 : i1 to i32
        %cond3A_215 = arith.constant 0 : i32
        %cond3A_216 = arith.cmpi ne, %convert_element_type3A_214, %cond3A_215 : i32
        scf.if %cond3A_216 {
          "tpu.trace_start"() <{level = 10 : i32, message = "ep_copy_out"}> : () -> ()
          %rem3A_264 = arith.constant 2 : i32
          %rem3A_265 = arith.remui %scan3A_124, %rem3A_264 : i32
          %mul3A_266 = arith.constant 256 : i32
          %mul3A_267 = arith.muli %mul3A_266, %add3A_131 : i32
          %dma_start3A_268 = arith.constant 0 : i32
          %dma_start3A_269 = arith.constant 0 : i32
          %dma_start3A_270 = tpu.memref_slice %run_scoped3A_8[%rem3A_265, %dma_start3A_268, %dma_start3A_269] : memref<2x256x128xi32, #tpu.memory_space<vmem>> -> memref<1x256x128xi32, #tpu.memory_space<vmem>>
          %dma_start3A_271 = tpu.memref_squeeze %dma_start3A_270 : memref<1x256x128xi32, #tpu.memory_space<vmem>> -> memref<256x128xi32, #tpu.memory_space<vmem>>
          %dma_start3A_272 = arith.constant 0 : i32
          %dma_start3A_273 = tpu.memref_slice %arg4[%mul3A_267, %dma_start3A_272] : memref<16384x128xi32, #tpu.memory_space<hbm>> -> memref<256x128xi32, #tpu.memory_space<hbm>>
          %dma_start3A_274 = tpu.memref_slice %run_scoped3A_9[%rem3A_265] : memref<2x!tpu.dma_semaphore, #tpu.memory_space<semaphore_mem>> -> memref<1x!tpu.dma_semaphore, #tpu.memory_space<semaphore_mem>>
          %dma_start3A_275 = tpu.memref_squeeze %dma_start3A_274 : memref<1x!tpu.dma_semaphore, #tpu.memory_space<semaphore_mem>> -> memref<!tpu.dma_semaphore, #tpu.memory_space<semaphore_mem>>
          %dma_start3A_276 = arith.constant 0 : i32
          %dma_start3A_277 = tpu.memref_slice %arg4[%mul3A_267, %dma_start3A_276] : memref<16384x128xi32, #tpu.memory_space<hbm>> -> memref<256x128xi32, #tpu.memory_space<hbm>>
          %dma_start3A_278 = arith.constant 0 : i32
          %dma_start3A_279 = arith.constant 0 : i32
          %dma_start3A_280 = tpu.memref_slice %run_scoped3A_8[%rem3A_265, %dma_start3A_278, %dma_start3A_279] : memref<2x256x128xi32, #tpu.memory_space<vmem>> -> memref<1x256x128xi32, #tpu.memory_space<vmem>>
          %dma_start3A_281 = tpu.memref_squeeze %dma_start3A_280 : memref<1x256x128xi32, #tpu.memory_space<vmem>> -> memref<256x128xi32, #tpu.memory_space<vmem>>
          tpu.enqueue_dma source(%dma_start3A_281 : memref<256x128xi32, #tpu.memory_space<vmem>>) target(%dma_start3A_277 : memref<256x128xi32, #tpu.memory_space<hbm>>) target_semaphore(%dma_start3A_275 : memref<!tpu.dma_semaphore, #tpu.memory_space<semaphore_mem>>)
          "tpu.trace_stop"() : () -> ()
        } else {
        }
        %and3A_217 = arith.constant true
        %and3A_218 = arith.andi %or3A_213, %and3A_217 : i1
        %add3A_219 = arith.constant 1 : i32
        %add3A_220 = arith.addi %scan3A_124, %add3A_219 : i32
        %select_n3A_221 = arith.select %and3A_218, %add3A_220, %scan3A_124 : i32
        %ne3A_222 = arith.cmpi ne, %add3A_131, %add3A_140 : i32
        %or3A_223 = arith.constant false
        %or3A_224 = arith.ori %or3A_223, %ne3A_222 : i1
        %not3A_225 = arith.constant true
        %not3A_226 = arith.xori %eq3A_128, %not3A_225 : i1
        %and3A_227 = arith.andi %or3A_224, %not3A_226 : i1
        %convert_element_type3A_228 = arith.extui %and3A_227 : i1 to i32
        %cond3A_229 = arith.constant 0 : i32
        %cond3A_230 = arith.cmpi ne, %convert_element_type3A_228, %cond3A_229 : i32
        scf.if %cond3A_230 {
        } else {
        }
        %and3A_231 = arith.constant false
        %and3A_232 = arith.andi %and3A_227, %and3A_231 : i1
        %ne3A_233 = arith.cmpi ne, %add3A_131, %add3A_140 : i32
        %or3A_234 = arith.constant false
        %or3A_235 = arith.ori %or3A_234, %ne3A_233 : i1
        %or3A_236 = arith.constant false
        %or3A_237 = arith.ori %or3A_235, %or3A_236 : i1
        %not3A_238 = arith.constant true
        %not3A_239 = arith.xori %eq3A_128, %not3A_238 : i1
        %and3A_240 = arith.andi %or3A_237, %not3A_239 : i1
        %convert_element_type3A_241 = arith.extui %and3A_240 : i1 to i32
        %cond3A_242 = arith.constant 0 : i32
        %cond3A_243 = arith.cmpi ne, %convert_element_type3A_241, %cond3A_242 : i32
        scf.if %cond3A_243 {
          "tpu.trace_start"() <{level = 10 : i32, message = "ep_wait_out"}> : () -> ()
          %rem3A_264 = arith.constant 2 : i32
          %rem3A_265 = arith.remui %scan3A_125, %rem3A_264 : i32
          %mul3A_266 = arith.constant 256 : i32
          %mul3A_267 = arith.muli %mul3A_266, %add3A_140 : i32
          %dma_wait3A_268 = arith.constant 0 : i32
          %dma_wait3A_269 = arith.constant 0 : i32
          %dma_wait3A_270 = tpu.memref_slice %run_scoped3A_8[%rem3A_265, %dma_wait3A_268, %dma_wait3A_269] : memref<2x256x128xi32, #tpu.memory_space<vmem>> -> memref<1x256x128xi32, #tpu.memory_space<vmem>>
          %dma_wait3A_271 = tpu.memref_squeeze %dma_wait3A_270 : memref<1x256x128xi32, #tpu.memory_space<vmem>> -> memref<256x128xi32, #tpu.memory_space<vmem>>
          %dma_wait3A_272 = arith.constant 0 : i32
          %dma_wait3A_273 = tpu.memref_slice %arg4[%mul3A_267, %dma_wait3A_272] : memref<16384x128xi32, #tpu.memory_space<hbm>> -> memref<256x128xi32, #tpu.memory_space<hbm>>
          %dma_wait3A_274 = tpu.memref_slice %run_scoped3A_9[%rem3A_265] : memref<2x!tpu.dma_semaphore, #tpu.memory_space<semaphore_mem>> -> memref<1x!tpu.dma_semaphore, #tpu.memory_space<semaphore_mem>>
          %dma_wait3A_275 = tpu.memref_squeeze %dma_wait3A_274 : memref<1x!tpu.dma_semaphore, #tpu.memory_space<semaphore_mem>> -> memref<!tpu.dma_semaphore, #tpu.memory_space<semaphore_mem>>
          %dma_wait3A_276 = arith.constant 0 : i32
          %dma_wait3A_277 = tpu.memref_slice %arg4[%mul3A_267, %dma_wait3A_276] : memref<16384x128xi32, #tpu.memory_space<hbm>> -> memref<256x128xi32, #tpu.memory_space<hbm>>
          %dma_wait3A_278 = arith.constant 0 : i32
          %dma_wait3A_279 = arith.constant 0 : i32
          %dma_wait3A_280 = tpu.memref_slice %run_scoped3A_8[%rem3A_265, %dma_wait3A_278, %dma_wait3A_279] : memref<2x256x128xi32, #tpu.memory_space<vmem>> -> memref<1x256x128xi32, #tpu.memory_space<vmem>>
          %dma_wait3A_281 = tpu.memref_squeeze %dma_wait3A_280 : memref<1x256x128xi32, #tpu.memory_space<vmem>> -> memref<256x128xi32, #tpu.memory_space<vmem>>
          tpu.wait_dma2 semaphore(%dma_wait3A_275 : memref<!tpu.dma_semaphore, #tpu.memory_space<semaphore_mem>>) src(%dma_wait3A_281 : memref<256x128xi32, #tpu.memory_space<vmem>>) dst(%dma_wait3A_277 : memref<256x128xi32, #tpu.memory_space<hbm>>)
          "tpu.trace_stop"() : () -> ()
        } else {
        }
        %and3A_244 = arith.constant true
        %and3A_245 = arith.andi %and3A_240, %and3A_244 : i1
        %add3A_246 = arith.constant 1 : i32
        %add3A_247 = arith.addi %scan3A_125, %add3A_246 : i32
        %select_n3A_248 = arith.select %and3A_245, %add3A_247, %scan3A_125 : i32
        %ne3A_249 = arith.cmpi ne, %add3A_131, %add3A_149 : i32
        %or3A_250 = arith.constant false
        %or3A_251 = arith.ori %or3A_250, %ne3A_249 : i1
        %or3A_252 = arith.ori %or3A_251, %eq3A_130 : i1
        %add3A_253 = arith.constant 1 : i32
        %add3A_254 = arith.addi %scan3A_123, %add3A_253 : i32
        %select_n3A_255 = arith.select %or3A_252, %add3A_254, %scan3A_123 : i32
        %add3A_256 = arith.constant 1 : i32
        %add3A_257 = arith.addi %scan3A_126, %add3A_256 : i32
        %select_n3A_258 = arith.constant true
        %select_n3A_259 = arith.select %select_n3A_258, %add3A_257, %scan3A_126 : i32
        %eq3A_260 = arith.constant 2 : i32
        %eq3A_261 = arith.cmpi eq, %select_n3A_259, %eq3A_260 : i32
        %select_n3A_262 = arith.constant 0 : i32
        %select_n3A_263 = arith.select %eq3A_261, %select_n3A_262, %select_n3A_259 : i32
        scf.yield %select_n3A_167, %select_n3A_255, %select_n3A_221, %select_n3A_248, %select_n3A_263 : i32, i32, i32, i32, i32
      }
      %scan3A_68 = arith.constant 2 : i32
      %sub3A = arith.constant 1 : i32
      %sub3A_69 = arith.subi %scan3A_67#4, %sub3A : i32
      %select_n3A_70 = arith.constant true
      %select_n3A_71 = arith.select %select_n3A_70, %sub3A_69, %scan3A_67#4 : i32
      %eq3A_72 = arith.constant -1 : i32
      %eq3A_73 = arith.cmpi eq, %select_n3A_71, %eq3A_72 : i32
      %select_n3A_74 = arith.constant 1 : i32
      %select_n3A_75 = arith.select %eq3A_73, %select_n3A_74, %select_n3A_71 : i32
      %add3A_76 = arith.addi %select_n3A_75, %mul3A_6 : i32
      %sub3A_77 = arith.constant 1 : i32
      %sub3A_78 = arith.subi %select_n3A_75, %sub3A_77 : i32
      %select_n3A_79 = arith.constant true
      %select_n3A_80 = arith.select %select_n3A_79, %sub3A_78, %select_n3A_75 : i32
      %eq3A_81 = arith.constant -1 : i32
      %eq3A_82 = arith.cmpi eq, %select_n3A_80, %eq3A_81 : i32
      %select_n3A_83 = arith.constant 1 : i32
      %select_n3A_84 = arith.select %eq3A_82, %select_n3A_83, %select_n3A_80 : i32
      %add3A_85 = arith.addi %select_n3A_84, %mul3A_6 : i32
      %add3A_86 = arith.constant 1 : i32
      %add3A_87 = arith.addi %select_n3A_75, %add3A_86 : i32
      %select_n3A_88 = arith.constant true
      %select_n3A_89 = arith.select %select_n3A_88, %add3A_87, %select_n3A_75 : i32
      %eq3A_90 = arith.constant 2 : i32
      %eq3A_91 = arith.cmpi eq, %select_n3A_89, %eq3A_90 : i32
      %select_n3A_92 = arith.constant 0 : i32
      %select_n3A_93 = arith.select %eq3A_91, %select_n3A_92, %select_n3A_89 : i32
      %add3A_94 = arith.addi %select_n3A_93, %mul3A_6 : i32
      %add3A_95 = arith.constant 1 : i32
      %add3A_96 = arith.addi %select_n3A_93, %add3A_95 : i32
      %select_n3A_97 = arith.constant true
      %select_n3A_98 = arith.select %select_n3A_97, %add3A_96, %select_n3A_93 : i32
      %eq3A_99 = arith.constant 2 : i32
      %eq3A_100 = arith.cmpi eq, %select_n3A_98, %eq3A_99 : i32
      %select_n3A_101 = arith.constant 0 : i32
      %select_n3A_102 = arith.select %eq3A_100, %select_n3A_101, %select_n3A_98 : i32
      %add3A_103 = arith.addi %select_n3A_102, %mul3A_6 : i32
      "tpu.trace_start"() <{level = 10 : i32, message = "ep_finalize"}> : () -> ()
      %rem3A_104 = arith.constant 2 : i32
      %rem3A_105 = arith.remui %scan3A_67#3, %rem3A_104 : i32
      %mul3A_106 = arith.constant 256 : i32
      %mul3A_107 = arith.muli %mul3A_106, %add3A_76 : i32
      %dma_wait3A = arith.constant 0 : i32
      %dma_wait3A_108 = arith.constant 0 : i32
      %dma_wait3A_109 = tpu.memref_slice %run_scoped3A_8[%rem3A_105, %dma_wait3A, %dma_wait3A_108] : memref<2x256x128xi32, #tpu.memory_space<vmem>> -> memref<1x256x128xi32, #tpu.memory_space<vmem>>
      %dma_wait3A_110 = tpu.memref_squeeze %dma_wait3A_109 : memref<1x256x128xi32, #tpu.memory_space<vmem>> -> memref<256x128xi32, #tpu.memory_space<vmem>>
      %dma_wait3A_111 = arith.constant 0 : i32
      %dma_wait3A_112 = tpu.memref_slice %arg4[%mul3A_107, %dma_wait3A_111] : memref<16384x128xi32, #tpu.memory_space<hbm>> -> memref<256x128xi32, #tpu.memory_space<hbm>>
      %dma_wait3A_113 = tpu.memref_slice %run_scoped3A_9[%rem3A_105] : memref<2x!tpu.dma_semaphore, #tpu.memory_space<semaphore_mem>> -> memref<1x!tpu.dma_semaphore, #tpu.memory_space<semaphore_mem>>
      %dma_wait3A_114 = tpu.memref_squeeze %dma_wait3A_113 : memref<1x!tpu.dma_semaphore, #tpu.memory_space<semaphore_mem>> -> memref<!tpu.dma_semaphore, #tpu.memory_space<semaphore_mem>>
      %dma_wait3A_115 = arith.constant 0 : i32
      %dma_wait3A_116 = tpu.memref_slice %arg4[%mul3A_107, %dma_wait3A_115] : memref<16384x128xi32, #tpu.memory_space<hbm>> -> memref<256x128xi32, #tpu.memory_space<hbm>>
      %dma_wait3A_117 = arith.constant 0 : i32
      %dma_wait3A_118 = arith.constant 0 : i32
      %dma_wait3A_119 = tpu.memref_slice %run_scoped3A_8[%rem3A_105, %dma_wait3A_117, %dma_wait3A_118] : memref<2x256x128xi32, #tpu.memory_space<vmem>> -> memref<1x256x128xi32, #tpu.memory_space<vmem>>
      %dma_wait3A_120 = tpu.memref_squeeze %dma_wait3A_119 : memref<1x256x128xi32, #tpu.memory_space<vmem>> -> memref<256x128xi32, #tpu.memory_space<vmem>>
      tpu.wait_dma2 semaphore(%dma_wait3A_114 : memref<!tpu.dma_semaphore, #tpu.memory_space<semaphore_mem>>) src(%dma_wait3A_120 : memref<256x128xi32, #tpu.memory_space<vmem>>) dst(%dma_wait3A_116 : memref<256x128xi32, #tpu.memory_space<hbm>>)
      "tpu.trace_stop"() : () -> ()
      tpu.yield
    }) : () -> ()
    return
  }
}

module attributes {stable_mosaic.version = 14 : i64} {
  func.func @_relayout_body(%arg0: i32, %arg1: memref<64x32768xf32, #tpu.memory_space<vmem>>, %arg2: memref<8192x128xi32, #tpu.memory_space<vmem>>) attributes {dimension_semantics = [#tpu.dimension_semantics<arbitrary>], iteration_bounds = array<i64: 31>, scalar_prefetch = 0 : i64, scratch_operands = 0 : i64, tpu.core_type = #tpu.core_type<tc>, window_params = [{transform_indices = @transform_0, window_bounds = array<i64: 64, 32768>}, {transform_indices = @transform_1, window_bounds = array<i64: 8192, 128>}]} {
    %get3A = arith.constant 0 : index
    %get3A_0 = arith.constant 0 : index
    %get3A_1 = vector.load %arg1[%get3A, %get3A_0] : memref<64x32768xf32, #tpu.memory_space<vmem>>, vector<64x32768xf32>
    %slice3A = vector.extract_strided_slice %get3A_1 {offsets = [0, 0], sizes = [64, 8192], strides = [1, 1]} : vector<64x32768xf32> to vector<64x8192xf32>
    %convert_element_type3A = arith.truncf %slice3A : vector<64x8192xf32> to vector<64x8192xbf16>
    %transpose3A = tpu.transpose %convert_element_type3A, [1, 0] : vector<64x8192xbf16> -> vector<8192x64xbf16>
    %convert_element_type3A_2 = arith.extf %transpose3A : vector<8192x64xbf16> to vector<8192x64xf32>
    %bitcast_convert_type3A = tpu.bitcast %convert_element_type3A_2 : vector<8192x64xf32> -> vector<8192x64xi32>
    %slice3A_3 = vector.extract_strided_slice %get3A_1 {offsets = [0, 8192], sizes = [64, 8192], strides = [1, 1]} : vector<64x32768xf32> to vector<64x8192xf32>
    %convert_element_type3A_4 = arith.truncf %slice3A_3 : vector<64x8192xf32> to vector<64x8192xbf16>
    %transpose3A_5 = tpu.transpose %convert_element_type3A_4, [1, 0] : vector<64x8192xbf16> -> vector<8192x64xbf16>
    %convert_element_type3A_6 = arith.extf %transpose3A_5 : vector<8192x64xbf16> to vector<8192x64xf32>
    %bitcast_convert_type3A_7 = tpu.bitcast %convert_element_type3A_6 : vector<8192x64xf32> -> vector<8192x64xi32>
    %slice3A_8 = vector.extract_strided_slice %get3A_1 {offsets = [0, 16384], sizes = [64, 8192], strides = [1, 1]} : vector<64x32768xf32> to vector<64x8192xf32>
    %convert_element_type3A_9 = arith.truncf %slice3A_8 : vector<64x8192xf32> to vector<64x8192xbf16>
    %transpose3A_10 = tpu.transpose %convert_element_type3A_9, [1, 0] : vector<64x8192xbf16> -> vector<8192x64xbf16>
    %convert_element_type3A_11 = arith.extf %transpose3A_10 : vector<8192x64xbf16> to vector<8192x64xf32>
    %bitcast_convert_type3A_12 = tpu.bitcast %convert_element_type3A_11 : vector<8192x64xf32> -> vector<8192x64xi32>
    %slice3A_13 = vector.extract_strided_slice %get3A_1 {offsets = [0, 24576], sizes = [64, 8192], strides = [1, 1]} : vector<64x32768xf32> to vector<64x8192xf32>
    %convert_element_type3A_14 = arith.truncf %slice3A_13 : vector<64x8192xf32> to vector<64x8192xbf16>
    %transpose3A_15 = tpu.transpose %convert_element_type3A_14, [1, 0] : vector<64x8192xbf16> -> vector<8192x64xbf16>
    %convert_element_type3A_16 = arith.extf %transpose3A_15 : vector<8192x64xbf16> to vector<8192x64xf32>
    %bitcast_convert_type3A_17 = tpu.bitcast %convert_element_type3A_16 : vector<8192x64xf32> -> vector<8192x64xi32>
    %shift_right_logical3A = arith.constant 16 : i32
    %shift_right_logical3A_18 = vector.broadcast %shift_right_logical3A : i32 to vector<8192x64xi32>
    %shift_right_logical3A_19 = arith.shrui %bitcast_convert_type3A, %shift_right_logical3A_18 : vector<8192x64xi32>
    %and3A = arith.constant -65536 : i32
    %and3A_20 = vector.broadcast %and3A : i32 to vector<8192x64xi32>
    %and3A_21 = arith.andi %bitcast_convert_type3A_7, %and3A_20 : vector<8192x64xi32>
    %or3A = arith.ori %shift_right_logical3A_19, %and3A_21 : vector<8192x64xi32>
    %swap3A = arith.constant 0 : index
    %swap3A_22 = arith.constant 0 : index
    %swap3A_23 = vector.load %arg2[%swap3A, %swap3A_22] : memref<8192x128xi32, #tpu.memory_space<vmem>>, vector<8192x64xi32>
    tpu.vector_store %arg2[%swap3A, %swap3A_22], %or3A {strides = array<i32>} : memref<8192x128xi32, #tpu.memory_space<vmem>>, vector<8192x64xi32>,
    %shift_right_logical3A_24 = arith.constant 16 : i32
    %shift_right_logical3A_25 = vector.broadcast %shift_right_logical3A_24 : i32 to vector<8192x64xi32>
    %shift_right_logical3A_26 = arith.shrui %bitcast_convert_type3A_12, %shift_right_logical3A_25 : vector<8192x64xi32>
    %and3A_27 = arith.constant -65536 : i32
    %and3A_28 = vector.broadcast %and3A_27 : i32 to vector<8192x64xi32>
    %and3A_29 = arith.andi %bitcast_convert_type3A_17, %and3A_28 : vector<8192x64xi32>
    %or3A_30 = arith.ori %shift_right_logical3A_26, %and3A_29 : vector<8192x64xi32>
    %swap3A_31 = arith.constant 0 : index
    %swap3A_32 = arith.constant 64 : index
    %swap3A_33 = vector.load %arg2[%swap3A_31, %swap3A_32] : memref<8192x128xi32, #tpu.memory_space<vmem>>, vector<8192x64xi32>
    tpu.vector_store %arg2[%swap3A_31, %swap3A_32], %or3A_30 {strides = array<i32>} : memref<8192x128xi32, #tpu.memory_space<vmem>>, vector<8192x64xi32>,
    return
  }
  func.func @transform_0(%arg0: i32) -> (i32, i32) {
    %c0_i32 = arith.constant 0 : i32
    %c0_i32_0 = arith.constant 0 : i32
    return %c0_i32, %arg0 : i32, i32
  }
  func.func @transform_1(%arg0: i32) -> (i32, i32) {
    %c0_i32 = arith.constant 0 : i32
    %c0_i32_0 = arith.constant 0 : i32
    return %arg0, %c0_i32 : i32, i32
  }
}

module attributes {stable_mosaic.version = 14 : i64} {
  func.func @_mlp_body(%arg0: i32, %arg1: memref<2048x128xi32, #tpu.memory_space<vmem>>, %arg2: memref<2048x1xbf16, #tpu.memory_space<vmem>>, %arg3: memref<64x128xf32, #tpu.memory_space<vmem>>, %arg4: memref<1x128xf32, #tpu.memory_space<vmem>>, %arg5: memref<128x64xf32, #tpu.memory_space<vmem>>, %arg6: memref<1x64xf32, #tpu.memory_space<vmem>>, %arg7: memref<64x64xf32, #tpu.memory_space<vmem>>, %arg8: memref<1x64xf32, #tpu.memory_space<vmem>>, %arg9: memref<64x64xf32, #tpu.memory_space<vmem>>, %arg10: memref<64x2048xf32, #tpu.memory_space<vmem>>) attributes {dimension_semantics = [#tpu.dimension_semantics<arbitrary>], iteration_bounds = array<i64: 8>, scalar_prefetch = 0 : i64, scratch_operands = 0 : i64, tpu.core_type = #tpu.core_type<tc>, window_params = [{transform_indices = @transform_0, window_bounds = array<i64: 2048, 128>}, {transform_indices = @transform_1, window_bounds = array<i64: 2048, 1>}, {pipeline_mode = #tpu.pipeline_mode<synchronous>, transform_indices = @transform_2, window_bounds = array<i64: 64, 128>}, {pipeline_mode = #tpu.pipeline_mode<synchronous>, transform_indices = @transform_3, window_bounds = array<i64: 1, 128>}, {pipeline_mode = #tpu.pipeline_mode<synchronous>, transform_indices = @transform_4, window_bounds = array<i64: 128, 64>}, {pipeline_mode = #tpu.pipeline_mode<synchronous>, transform_indices = @transform_5, window_bounds = array<i64: 1, 64>}, {pipeline_mode = #tpu.pipeline_mode<synchronous>, transform_indices = @transform_6, window_bounds = array<i64: 64, 64>}, {pipeline_mode = #tpu.pipeline_mode<synchronous>, transform_indices = @transform_7, window_bounds = array<i64: 1, 64>}, {pipeline_mode = #tpu.pipeline_mode<synchronous>, transform_indices = @transform_8, window_bounds = array<i64: 64, 64>}, {transform_indices = @transform_9, window_bounds = array<i64: 64, 2048>}]} {
    %get3A = arith.constant 0 : index
    %get3A_0 = arith.constant 0 : index
    %get3A_1 = vector.load %arg1[%get3A, %get3A_0] : memref<2048x128xi32, #tpu.memory_space<vmem>>, vector<2048x128xi32>
    %get3A_2 = arith.constant 0 : index
    %get3A_3 = arith.constant 0 : index
    %get3A_4 = vector.load %arg2[%get3A_2, %get3A_3] : memref<2048x1xbf16, #tpu.memory_space<vmem>>, vector<2048x1xbf16>
    %convert_element_type3A = arith.extf %get3A_4 : vector<2048x1xbf16> to vector<2048x1xf32>
    %lt3A = arith.constant 2.000000e+00 : f32
    %lt3A_5 = vector.broadcast %lt3A : f32 to vector<2048x1xf32>
    %lt3A_6 = arith.cmpf olt, %convert_element_type3A, %lt3A_5 : vector<2048x1xf32>
    %slice3A = vector.extract_strided_slice %get3A_1 {offsets = [0, 0], sizes = [2048, 64], strides = [1, 1]} : vector<2048x128xi32> to vector<2048x64xi32>
    %slice3A_7 = vector.extract_strided_slice %get3A_1 {offsets = [0, 64], sizes = [2048, 64], strides = [1, 1]} : vector<2048x128xi32> to vector<2048x64xi32>
    %broadcast_in_dim3A = vector.shape_cast %lt3A_6 : vector<2048x1xi1> to vector<2048x1xi1>
    %broadcast_in_dim3A_8 = vector.broadcast %broadcast_in_dim3A : vector<2048x1xi1> to vector<2048x64xi1>
    %select_n3A = arith.select %broadcast_in_dim3A_8, %slice3A, %slice3A_7 : vector<2048x64xi1>, vector<2048x64xi32>
    %eq3A = arith.constant 0.000000e+00 : f32
    %eq3A_9 = vector.broadcast %eq3A : f32 to vector<2048x1xf32>
    %eq3A_10 = arith.cmpf oeq, %convert_element_type3A, %eq3A_9 : vector<2048x1xf32>
    %eq3A_11 = arith.constant 2.000000e+00 : f32
    %eq3A_12 = vector.broadcast %eq3A_11 : f32 to vector<2048x1xf32>
    %eq3A_13 = arith.cmpf oeq, %convert_element_type3A, %eq3A_12 : vector<2048x1xf32>
    %or3A = arith.ori %eq3A_10, %eq3A_13 : vector<2048x1xi1>
    %shift_left3A = arith.constant 16 : i32
    %shift_left3A_14 = vector.broadcast %shift_left3A : i32 to vector<2048x64xi32>
    %shift_left3A_15 = arith.shli %select_n3A, %shift_left3A_14 : vector<2048x64xi32>
    %and3A = arith.constant -65536 : i32
    %and3A_16 = vector.broadcast %and3A : i32 to vector<2048x64xi32>
    %and3A_17 = arith.andi %select_n3A, %and3A_16 : vector<2048x64xi32>
    %broadcast_in_dim3A_18 = vector.shape_cast %or3A : vector<2048x1xi1> to vector<2048x1xi1>
    %broadcast_in_dim3A_19 = vector.broadcast %broadcast_in_dim3A_18 : vector<2048x1xi1> to vector<2048x64xi1>
    %select_n3A_20 = arith.select %broadcast_in_dim3A_19, %shift_left3A_15, %and3A_17 : vector<2048x64xi1>, vector<2048x64xi32>
    %bitcast_convert_type3A = tpu.bitcast %select_n3A_20 : vector<2048x64xi32> -> vector<2048x64xf32>
    %get3A_21 = arith.constant 0 : index
    %get3A_22 = arith.constant 0 : index
    %get3A_23 = vector.load %arg3[%get3A_21, %get3A_22] : memref<64x128xf32, #tpu.memory_space<vmem>>, vector<64x128xf32>
    %dot_general3A = arith.constant dense<0.000000e+00> : vector<2048x128xf32>
    %dot_general3A_24 = tpu.matmul %bitcast_convert_type3A, %get3A_23, %dot_general3A {dimension_numbers = #tpu.dot_dimension_numbers<[1], [0], [0], [1], [0, 0, 1, 1], [], []>, transpose_lhs_hint = false} : vector<2048x64xf32>, vector<64x128xf32>, vector<2048x128xf32> -> vector<2048x128xf32>
    %get3A_25 = arith.constant 0 : index
    %get3A_26 = arith.constant 0 : index
    %get3A_27 = vector.load %arg4[%get3A_25, %get3A_26] : memref<1x128xf32, #tpu.memory_space<vmem>>, vector<1x128xf32>
    %add3A = vector.broadcast %get3A_27 : vector<1x128xf32> to vector<2048x128xf32>
    %add3A_28 = arith.addf %dot_general3A_24, %add3A : vector<2048x128xf32>
    %max3A = arith.constant 0.000000e+00 : f32
    %max3A_29 = vector.broadcast %max3A : f32 to vector<2048x128xf32>
    %max3A_30 = arith.maximumf %add3A_28, %max3A_29 : vector<2048x128xf32>
    %get3A_31 = arith.constant 0 : index
    %get3A_32 = arith.constant 0 : index
    %get3A_33 = vector.load %arg5[%get3A_31, %get3A_32] : memref<128x64xf32, #tpu.memory_space<vmem>>, vector<128x64xf32>
    %dot_general3A_34 = arith.constant dense<0.000000e+00> : vector<2048x64xf32>
    %dot_general3A_35 = tpu.matmul %max3A_30, %get3A_33, %dot_general3A_34 {dimension_numbers = #tpu.dot_dimension_numbers<[1], [0], [0], [1], [0, 0, 1, 1], [], []>, transpose_lhs_hint = false} : vector<2048x128xf32>, vector<128x64xf32>, vector<2048x64xf32> -> vector<2048x64xf32>
    %get3A_36 = arith.constant 0 : index
    %get3A_37 = arith.constant 0 : index
    %get3A_38 = vector.load %arg6[%get3A_36, %get3A_37] : memref<1x64xf32, #tpu.memory_space<vmem>>, vector<1x64xf32>
    %add3A_39 = vector.broadcast %get3A_38 : vector<1x64xf32> to vector<2048x64xf32>
    %add3A_40 = arith.addf %dot_general3A_35, %add3A_39 : vector<2048x64xf32>
    %max3A_41 = arith.constant 0.000000e+00 : f32
    %max3A_42 = vector.broadcast %max3A_41 : f32 to vector<2048x64xf32>
    %max3A_43 = arith.maximumf %add3A_40, %max3A_42 : vector<2048x64xf32>
    %get3A_44 = arith.constant 0 : index
    %get3A_45 = arith.constant 0 : index
    %get3A_46 = vector.load %arg7[%get3A_44, %get3A_45] : memref<64x64xf32, #tpu.memory_space<vmem>>, vector<64x64xf32>
    %dot_general3A_47 = arith.constant dense<0.000000e+00> : vector<2048x64xf32>
    %dot_general3A_48 = tpu.matmul %max3A_43, %get3A_46, %dot_general3A_47 {dimension_numbers = #tpu.dot_dimension_numbers<[1], [0], [0], [1], [0, 0, 1, 1], [], []>, transpose_lhs_hint = false} : vector<2048x64xf32>, vector<64x64xf32>, vector<2048x64xf32> -> vector<2048x64xf32>
    %get3A_49 = arith.constant 0 : index
    %get3A_50 = arith.constant 0 : index
    %get3A_51 = vector.load %arg8[%get3A_49, %get3A_50] : memref<1x64xf32, #tpu.memory_space<vmem>>, vector<1x64xf32>
    %add3A_52 = vector.broadcast %get3A_51 : vector<1x64xf32> to vector<2048x64xf32>
    %add3A_53 = arith.addf %dot_general3A_48, %add3A_52 : vector<2048x64xf32>
    %mul3A = arith.mulf %add3A_53, %add3A_53 : vector<2048x64xf32>
    %reduce_sum3A = arith.constant dense<0.000000e+00> : vector<2048xf32>
    %reduce_sum3A_54 = vector.multi_reduction <add>, %mul3A, %reduce_sum3A [1] : vector<2048x64xf32> to vector<2048xf32>
    %broadcast_in_dim3A_55 = vector.shape_cast %reduce_sum3A_54 : vector<2048xf32> to vector<2048x1xf32>
    %max3A_56 = arith.constant 9.99999996E-13 : f32
    %max3A_57 = vector.broadcast %max3A_56 : f32 to vector<2048x1xf32>
    %max3A_58 = arith.maximumf %broadcast_in_dim3A_55, %max3A_57 : vector<2048x1xf32>
    %rsqrt3A = math.rsqrt %max3A_58 : vector<2048x1xf32>
    %mul3A_59 = vector.broadcast %rsqrt3A : vector<2048x1xf32> to vector<2048x64xf32>
    %mul3A_60 = arith.mulf %add3A_53, %mul3A_59 : vector<2048x64xf32>
    %get3A_61 = arith.constant 0 : index
    %get3A_62 = arith.constant 0 : index
    %get3A_63 = vector.load %arg9[%get3A_61, %get3A_62] : memref<64x64xf32, #tpu.memory_space<vmem>>, vector<64x64xf32>
    %dot_general3A_64 = arith.constant dense<0.000000e+00> : vector<64x2048xf32>
    %dot_general3A_65 = tpu.matmul %get3A_63, %mul3A_60, %dot_general3A_64 {dimension_numbers = #tpu.dot_dimension_numbers<[1], [1], [0], [0], [0, 0, 1, 0], [], []>, transpose_lhs_hint = false} : vector<64x64xf32>, vector<2048x64xf32>, vector<64x2048xf32> -> vector<64x2048xf32>
    %swap3A = arith.constant 0 : index
    %swap3A_66 = arith.constant 0 : index
    %swap3A_67 = vector.load %arg10[%swap3A, %swap3A_66] : memref<64x2048xf32, #tpu.memory_space<vmem>>, vector<64x2048xf32>
    tpu.vector_store %arg10[%swap3A, %swap3A_66], %dot_general3A_65 {strides = array<i32>} : memref<64x2048xf32, #tpu.memory_space<vmem>>, vector<64x2048xf32>,
    return
  }
  func.func @transform_0(%arg0: i32) -> (i32, i32) {
    %c0_i32 = arith.constant 0 : i32
    %c0_i32_0 = arith.constant 0 : i32
    return %arg0, %c0_i32 : i32, i32
  }
  func.func @transform_1(%arg0: i32) -> (i32, i32) {
    %c0_i32 = arith.constant 0 : i32
    %c0_i32_0 = arith.constant 0 : i32
    return %arg0, %c0_i32 : i32, i32
  }
  func.func @transform_2(%arg0: i32) -> (i32, i32) {
    %c0_i32 = arith.constant 0 : i32
    %c0_i32_0 = arith.constant 0 : i32
    %c0_i32_1 = arith.constant 0 : i32
    return %c0_i32, %c0_i32_0 : i32, i32
  }
  func.func @transform_3(%arg0: i32) -> (i32, i32) {
    %c0_i32 = arith.constant 0 : i32
    %c0_i32_0 = arith.constant 0 : i32
    %c0_i32_1 = arith.constant 0 : i32
    return %c0_i32, %c0_i32_0 : i32, i32
  }
  func.func @transform_4(%arg0: i32) -> (i32, i32) {
    %c0_i32 = arith.constant 0 : i32
    %c0_i32_0 = arith.constant 0 : i32
    %c0_i32_1 = arith.constant 0 : i32
    return %c0_i32, %c0_i32_0 : i32, i32
  }
  func.func @transform_5(%arg0: i32) -> (i32, i32) {
    %c0_i32 = arith.constant 0 : i32
    %c0_i32_0 = arith.constant 0 : i32
    %c0_i32_1 = arith.constant 0 : i32
    return %c0_i32, %c0_i32_0 : i32, i32
  }
  func.func @transform_6(%arg0: i32) -> (i32, i32) {
    %c0_i32 = arith.constant 0 : i32
    %c0_i32_0 = arith.constant 0 : i32
    %c0_i32_1 = arith.constant 0 : i32
    return %c0_i32, %c0_i32_0 : i32, i32
  }
  func.func @transform_7(%arg0: i32) -> (i32, i32) {
    %c0_i32 = arith.constant 0 : i32
    %c0_i32_0 = arith.constant 0 : i32
    %c0_i32_1 = arith.constant 0 : i32
    return %c0_i32, %c0_i32_0 : i32, i32
  }
  func.func @transform_8(%arg0: i32) -> (i32, i32) {
    %c0_i32 = arith.constant 0 : i32
    %c0_i32_0 = arith.constant 0 : i32
    %c0_i32_1 = arith.constant 0 : i32
    return %c0_i32, %c0_i32_0 : i32, i32
  }
  func.func @transform_9(%arg0: i32) -> (i32, i32) {
    %c0_i32 = arith.constant 0 : i32
    %c0_i32_0 = arith.constant 0 : i32
    return %c0_i32, %arg0 : i32, i32
  }
}

</mosaic_0001>

<sc_bundles>
// kernel: kernel.5.cloned.1.call-start
scs
__scs_entry_jumppad:
0x0: {  	(pc) =	sbr.rel $0x88, $3  }
0x1: {  	(tag) =	ssettag $0x0;
	lr =	simm.s32 $0x1  }
0x2: {  	[smem:$0x3F91] =	sst lr;
	_ =	strace $0xD0000000  }
0x3: {  	_ = 	snop  }
0x4: {  	_ = 	snop  }
0x5: {  	_ = 	snop  }
0x6: {  	_ = 	snop  }
0x7: {  	_ = 	snop  }
__scs_overlays_trampoline_lowered:
0x8: {  	[smem:$0x3FA0] =	sst s0  }
0x9: {  	[smem:$0x3FA1] =	sst s1  }
0xa: {  	[smem:$0x3FA2] =	sst s2  }
0xb: {  	[smem:$0x3FA3] =	sst s3  }
0xc: {  	[smem:$0x3FA4] =	sst s4  }
0xd: {  	[smem:$0x3FA5] =	sst s5  }
0xe: {  	[smem:$0x3FA6] =	sst s6  }
0xf: {  	[smem:$0x3FA7] =	sst s7  }
0x10: {  	[smem:$0x3FA8] =	sst s8  }
0x11: {  	[smem:$0x3FA9] =	sst s9;
	s0 =	simm.s32 @!p0 $0x0  }
0x12: {  	s1 =	sld [smem:$0x3F8F];
	s0 =	simm.s32 @p0 $0x1  }
0x13: {  	[smem:$0x3FAA] =	sst s0;
	s0 =	simm.s32 @!p1 $0x0  }
0x14: {  	s2 =	sld [smem:$0x3F8E];
	s0 =	simm.s32 @p1 $0x1  }
0x15: {  	[smem:$0x3FAB] =	sst s0;
	s0 =	simm.s32 @!p2 $0x0  }
0x16: {  	s3 =	sld [smem:$0x3FDB];
	s0 =	simm.s32 @p2 $0x1  }
0x17: {  	s4 =	simm.s32 $0x1BF5;
	[smem:$0x3FAD] =	sst s0  }
0x18: {  	s0 =	sld [smem:$0x3F90];
	_ =	swait.ge [sflag:s4], $0x0  }
0x19: {  	s7 =	sld [smem:$0x3F91]  }
0x1a: {  	s8 =	sadd.s32 $0xFFFFE003, lr  }
0x1b: {  	s9 =	sadd.s32 $0xFFFFFEF7, lr;
	s5 =	simm.s32 $0xFFFFFFFF;
	p2 =	slt.u32 s8, $0xFFFFF086  }
0x1c: {  	p1 =	slt.u32 s9, $0xF7A;
	s5 =	simm.s32 @!p2 $0x0  }
0x1d: {  	s5 =	simm.s32 @p1 $0x1;
	p0 =	seq.s32 s7, s2  }
0x1e: {  	s7 =	smul.u32 @!p0 $0xF7A, s2;
	p2 =	seq.s32 @!p0 s5, $0x0  }
0x1f: {  	s9 =	smul.u32 $0xF7A, s1;
	s8 =	simm.s32 @!p0 $0x1BF5;
	p2 =	por !p2, p0  }
0x20: {  	[sflag:s8] =	ssyncset.s32 @!p0 $0xFFFFF086;
	s6 =	sadd.s32 @!p0 s3, s7;
	s7 =	simm.s32 @!p0 $0x108  }
0x21: {  	s3 =	sadd.s32 s3, s9;
	s6 =	sadd.s32 @!p0 $0x88, s6;
	s7 =	simm.s32 @p2 $0x1082  }
0x22: {  	[simem:s7], [sflag:s8] =	dma.local @!p0 [hbm:s6], $0xF7A  }
0x23: {  	s9 =	sor.u32 $0xD0000000, s2;
	s6 =	simm.s32 $0x108;
	_ =	swait.ge @!p0 [sflag:s8], $0x0  }
0x24: {  	s3 =	sadd.s32 $0x88, s3;
	s6 =	simm.s32 @!p1 $0x1082;
	[sflag:s4] =	ssyncset.s32 $0xFFFFF086  }
0x25: {  	[simem:s6], [sflag:s4] =	dma.local [hbm:s3], $0xF7A  }
0x26: {  	[smem:$0x3F91] =	sst s1;
	(tag) =	ssettag s2;
	_ =	strace s9  }
0x27: {  	s1 =	sld [smem:$0x3FA1]  }
0x28: {  	s2 =	sld [smem:$0x3FA2]  }
0x29: {  	s4 =	sld [smem:$0x3FA4]  }
0x2a: {  	p0 =	seq.s32 s5, $0x0;
	s5 =	sld [smem:$0x3FA5]  }
0x2b: {  	s6 =	sld [smem:$0x3FA6]  }
0x2c: {  	s7 =	sld [smem:$0x3FA7]  }
0x2d: {  	s3 =	simm.s32 $0x108;
	s8 =	sld [smem:$0x3FA8]  }
0x2e: {  	s3 =	simm.s32 @!p0 $0x1082;
	s9 =	sld [smem:$0x3FA9]  }
0x2f: {  	lr =	sadd.s32 s0, s3;
	s0 =	sld [smem:$0x3FA0]  }
0x30: {  	s3 =	sld [smem:$0x3FA3]  }
0x31: {  	[smem:$0x3FAC] =	sst s10  }
0x32: {  	s10 =	sld [smem:$0x3FAA];
	_ =	sdelay $0x3  }
0x33: {  	p0 =	seq.s32 s10, $0x1;
	s10 =	sld [smem:$0x3FAC];
	_ =	sdelay $0x3  }
0x34: {  	[smem:$0x3FAC] =	sst s10  }
0x35: {  	s10 =	sld [smem:$0x3FAB];
	_ =	sdelay $0x3  }
0x36: {  	p1 =	seq.s32 s10, $0x1;
	s10 =	sld [smem:$0x3FAC];
	_ =	sdelay $0x3  }
0x37: {  	[smem:$0x3FAC] =	sst s10  }
0x38: {  	s10 =	sld [smem:$0x3FAD]  }
0x39: {  	_ = 	snop;
	(pc) =	sbr.ind lr, $3  }
0x3a: {  	_ = 	snop  }
0x3b: {  	_ = 	snop  }
0x3c: {  	p2 =	seq.s32 s10, $0x1;
	s10 =	sld [smem:$0x3FAC]  }
0x3d: {  	_ =	shalt  }
0x3e: {  	_ =	shalt  }
0x3f: {  	_ =	shalt  }
0x40: {  	_ =	shalt  }
0x41: {  	_ =	shalt  }
0x42: {  	_ =	shalt  }
0x43: {  	_ =	shalt  }
0x44: {  	_ =	shalt  }
0x45: {  	_ =	shalt  }
0x46: {  	_ =	shalt  }
0x47: {  	_ =	shalt  }
0x48: {  	_ =	shalt  }
0x49: {  	_ =	shalt  }
0x4a: {  	_ =	shalt  }
0x4b: {  	_ =	shalt  }
0x4c: {  	_ =	shalt  }
0x4d: {  	_ =	shalt  }
0x4e: {  	_ =	shalt  }
0x4f: {  	_ =	shalt  }
0x50: {  	_ =	shalt  }
0x51: {  	_ =	shalt  }
0x52: {  	_ =	shalt  }
0x53: {  	_ =	shalt  }
0x54: {  	_ =	shalt  }
0x55: {  	_ =	shalt  }
0x56: {  	_ =	shalt  }
0x57: {  	_ =	shalt  }
0x58: {  	_ =	shalt  }
0x59: {  	_ =	shalt  }
0x5a: {  	_ =	shalt  }
0x5b: {  	_ =	shalt  }
0x5c: {  	_ =	shalt  }
0x5d: {  	_ =	shalt  }
0x5e: {  	_ =	shalt  }
0x5f: {  	_ =	shalt  }
0x60: {  	_ =	shalt  }
0x61: {  	_ =	shalt  }
0x62: {  	_ =	shalt  }
0x63: {  	_ =	shalt  }
0x64: {  	_ =	shalt  }
0x65: {  	_ =	shalt  }
0x66: {  	_ =	shalt  }
0x67: {  	_ =	shalt  }
0x68: {  	_ =	shalt  }
0x69: {  	_ =	shalt  }
0x6a: {  	_ =	shalt  }
0x6b: {  	_ =	shalt  }
0x6c: {  	_ =	shalt  }
0x6d: {  	_ =	shalt  }
0x6e: {  	_ =	shalt  }
0x6f: {  	_ =	shalt  }
0x70: {  	_ =	shalt  }
0x71: {  	_ =	shalt  }
0x72: {  	_ =	shalt  }
0x73: {  	_ =	shalt  }
0x74: {  	_ =	shalt  }
0x75: {  	_ =	shalt  }
0x76: {  	_ =	shalt  }
0x77: {  	_ =	shalt  }
0x78: {  	_ =	shalt  }
0x79: {  	_ =	shalt  }
0x7a: {  	_ =	shalt  }
0x7b: {  	_ =	shalt  }
0x7c: {  	_ =	shalt  }
0x7d: {  	_ =	shalt  }
0x7e: {  	_ =	shalt  }
0x7f: {  	_ =	shalt  }
0x80: {  	_ =	shalt  }
0x81: {  	_ =	shalt  }
0x82: {  	_ =	shalt  }
0x83: {  	_ =	shalt  }
0x84: {  	_ =	shalt  }
0x85: {  	_ =	shalt  }
0x86: {  	_ =	shalt  }
0x87: {  	_ =	shalt  }
.Lfunc_end0:
.L_simem_size_0:
called_computation_lowered:
.L_overlay_start_0:
0x88: {  	s2 =	sld [smem:$0x3FD9]  }
0x89: {  	s3 =	sld [smem:$0x3FFE];
	_ =	sdelay $0x1  }
0x8a: {  	s1 =	srdreg.scid  }
0x8b: {  	s0 =	sand.u32 $0x1, s1  }
0x8c: {  	s17 =	sshll.u32 s0, $0xA;
	s2 =	sadd.s32 s3, s2  }
0x8d: {  	s2 =	sadd.s32 s2, s17  }
0x8e: {  	[smem:$0x3FB8] =	sst s2  }
0x8f: {  	_ = 	snop  }
0x90: {  	s2 =	sld [smem:$0x3FD0];
	(tm) =	ssettm $0x1  }
0x91: {  	s18 =	sld [smem:$0x3FFB];
	_ =	sdelay $0x3  }
0x92: {  	_ =	strace s18  }
0x93: {  	s3 =	sld [smem:$0x3FFC];
	_ =	sdelay $0x3  }
0x94: {  	_ =	strace s3  }
0x95: {  	s3 =	sld [smem:$0x3FFD];
	_ =	sdelay $0x3  }
0x96: {  	_ =	strace s3  }
0x97: {  	_ =	strace $0x8FFFFFFF  }
0x98: {  	s19 =	sld [smem:$0x3FDB];
	_ =	sdelay $0x1  }
0x99: {  	s4 =	simm.s32 $_scs_section_size  }
0x9a: {  	s5 =	simm.s32 $_size__tile_overlayer_lowered;
	s6 =	simm.s32 $_tile_overlayer_lowered  }
0x9b: {  	s22 =	simm.s32 $0x1BFF;
	s21 =	sshll.u32 s6, $0x1;
	s3 =	sadd.s32 s4, s19  }
0x9c: {  	s7 =	simm.s32 $0x0;
	s20 =	sshll.u32 s5, $0x1;
	s5 =	sadd.s32 s21, s3  }
0x9d: {  	[timem:s7], [sflag:s22] =	dma.local [hbm:s5], s20  }
0x9e: {  	_ =	swait.ge [sflag:s22], s20  }
0x9f: {  	s4 =	ssub.s32 $0x0, s20;
	[sflag:s22] =	ssyncset.done $0x0  }
0xa0: {  	[sflag:s22] =	ssyncadd.s32 s4;
	_ =	sdelay $0x1  }
0xa1: {  	s23 =	simm.s32 $0x1B8B  }
0xa2: {  	_ =	swait.ge [sflag:s23], $0x1  }
0xa3: {  	[sflag:s23] =	ssyncset.done $0x0  }
0xa4: {  	s25 =	simm.s32 $0x1B8E;
	s24 =	sld [smem:$0x3FFE];
	[sflag:s23] =	ssyncadd.s32 $0xFFFFFFFF  }
0xa5: {  	s26 =	simm.s32 $execute0_lowered;
	[smem:$0x3FD2] =	sst s25  }
0xa6: {  	s5 =	sshll.u32 s26, $0x1;
	_ =	strace $0x80000046;
	[dreg:$0x1] =	wrdreg $0xFFFFFFFF  }
0xa7: {  	s28 =	simm.s32 $_size_execute0_lowered;
	s3 =	sadd.s32 s3, s5;
	[dreg:$0x0] =	wrdreg $0x0  }
0xa8: {  	s5 =	sshll.u32 s28, $0x1;
	[dreg:$0x2] =	wrdreg s3  }
0xa9: {  	[dreg:$0x3] =	wrdreg s5  }
0xaa: {  	[dreg:$0x4] =	wrdreg $0xC0  }
0xab: {  	_ =	task [dreg:s7], $0x5FFFF  }
0xac: {  	[dreg:$0x1] =	wrdreg $0xFFFFFFFF  }
0xad: {  	[dreg:$0x0] =	wrdreg $0x60  }
0xae: {  	[dreg:$0x2] =	wrdreg s24  }
0xaf: {  	[dreg:$0x3] =	wrdreg s2  }
0xb0: {  	[dreg:$0x4] =	wrdreg $0x9  }
0xb1: {  	_ =	task.clear_ibuf [dreg:s7], $0x5FFFF;
	_ =	strace $0x90000046  }
0xb2: {  	s29 =	simm.s32 $0x9;
	_ =	strace $0x8000004F  }
0xb3: {  	_ =	swait.ge [sflag:s29], $0x1  }
0xb4: {  	[sflag:s29] =	ssyncadd.s32 $0xFFFFFFFF  }
0xb5: {  	_ =	strace $0x9000004F  }
0xb6: {  	_ =	sfence  }
0xb7: {  	s30 =	sld [smem:$0x0];
	_ =	sdelay $0x2  }
0xb8: {  	s31 =	sshll.u32 s1, $0xD;
	s1 =	sshrl.u32 s1, $0x2  }
0xb9: {  	s3 =	sand.u32 $0x4000, s31;
	s1 =	sadd.s32 s1, s30  }
0xba: {  	s0 =	sor.u32 s3, s0;
	s1 =	sshll.u32 s1, $0x11  }
0xbb: {  	s0 =	sor.u32 s1, s0  }
0xbc: {  	s0 =	sadd.s32 $0x8F2B, s0  }
0xbd: {  	[sflag:s0] =	ssyncadd.remote.s32 $0x1  }
0xbe: {  	_ =	sfence.sel $0xFFFF  }
0xbf: {  	[dreg:$0x0] =	wrdreg $0xFFFFFFFF;
	(pc) =	sbr.abs _section_cstart, $3  }
0xc0: {  	[dreg:$0x1] =	wrdreg $0xFFFFFFFF  }
0xc1: {  	_ =	task.clear_ibuf [dreg:s7], $0x2FFFF;
	_ =	strace $0x9FFFFFFF  }
0xc2: {  	(tm) =	ssettm $0x7FFFFFFF  }
0xc3: {  	_ =	shalt  }
tec
execute0_lowered:
.L_overlay_start_1:
0x0: {  	(tag) =	ssettag $0x1  }
0x1: {  	s10 =	rddreg [dreg:$0x0];
	s1 =	srdreg.scid  }
0x2: {  	s3 =	rddreg [dreg:$0x1];
	s15 =	sand.u32 $0x1, s1  }
0x3: {  	s2 =	simm.s32 $0x0;
	s1 =	stileid.u32;
	s4 =	sshll.u32 s15, $0x4  }
0x4: {  	[smem:$0x7FF] =	sst s2;
	s11 =	sor.u32 s1, s4  }
0x5: {  	s0 =	rddreg [dreg:$0x2];
	_ =	strace $0x80000047;
	s4 =	sshll.u32 s11, $0x6  }
0x6: {  	_ =	strace $0x80000048;
	s3 =	sadd.s32 s3, s4  }
0x7: {  	[tilespmem:s2], [sflag:$0x1] =	stream.linear.gather [hbm4b:s3+s2], $0x100, $0x200038;
	[tilespmem:$0x10200] =	vst v63  }
0x8: {  	_ =	strace $0x90000048  }
0x9: {  	s5 =	simm.s32 $0x100;
	s4 =	sadd.s32 $0x20, s3;
	_ =	strace $0x80000049  }
0xa: {  	[tilespmem:s5], [sflag:$0x2] =	stream.linear.gather [hbm4b:s4+s2], $0x100, $0x200038;
	[tilespmem:$0x10200] =	vst v63  }
0xb: {  	_ =	strace $0x90000049  }
0xc: {  	s6 =	simm.s32 $0x1;
	_ =	strace $0x8000004A  }
0xd: {  	_ =	swait.ge [sflag:s6], $0x100  }
0xe: {  	[sflag:s6] =	ssyncset.done $0x0  }
0xf: {  	[sflag:s6] =	ssyncadd.s32 $0xFFFFFF00  }
0x10: {  	s8 =	simm.s32 $0x200;
	_ =	strace $0x9000004A  }
0x11: {  	s9 =	simm.s32 $0x5;
	s7 =	sadd.s32 $0x2A00, s10;
	_ =	strace $0x8000004B  }
0x12: {  	[tilespmem:s8], [sflag:$0x5] =	stream.indirect.gather [hbm4b:s7+s5], $0x80, s2, s5, $0x2000b8;
	[tilespmem:$0x10200] =	vst v63  }
0x13: {  	_ =	swait.ge [sflag:s9], $0x8000  }
0x14: {  	[sflag:s9] =	ssyncset.done $0x0  }
0x15: {  	s11 =	sshll.u32 s11, $0xD;
	[sflag:s9] =	ssyncadd.s32 $0xFFFF8000  }
0x16: {  	s13 =	sadd.s32 s11, s10;
	_ =	strace $0x9000004B  }
0x17: {  	s10 =	sadd.s32 $0x3E2A00, s13;
	_ =	strace $0x8000004C  }
0x18: {  	[hbm4b:s10+s2] =	stream.linear.scatter [tilespmem:s8], [sflag:$0x3], $0x8000, $0x200038;
	[tilespmem:$0x10200] =	vst v63  }
0x19: {  	_ =	strace $0x9000004C  }
0x1a: {  	s11 =	simm.s32 $0x2;
	_ =	strace $0x8000004A  }
0x1b: {  	_ =	swait.ge [sflag:s11], $0x100  }
0x1c: {  	[sflag:s11] =	ssyncset.done $0x0  }
0x1d: {  	[sflag:s11] =	ssyncadd.s32 $0xFFFFFF00  }
0x1e: {  	_ =	strace $0x9000004A  }
0x1f: {  	s12 =	simm.s32 $0x8200;
	_ =	strace $0x8000004B  }
0x20: {  	[tilespmem:s12], [sflag:$0x5] =	stream.indirect.gather [hbm4b:s7+s5], $0x80, s5, s5, $0x2000b8;
	[tilespmem:$0x10200] =	vst v63  }
0x21: {  	_ =	swait.ge [sflag:s9], $0x8000  }
0x22: {  	[sflag:s9] =	ssyncset.done $0x0  }
0x23: {  	[sflag:s9] =	ssyncadd.s32 $0xFFFF8000  }
0x24: {  	_ =	strace $0x9000004B  }
0x25: {  	s13 =	sadd.s32 $0x3E3A00, s13;
	_ =	strace $0x8000004C  }
0x26: {  	[hbm4b:s13+s2] =	stream.linear.scatter [tilespmem:s12], [sflag:$0x4], $0x8000, $0x200038;
	[tilespmem:$0x10200] =	vst v63  }
0x27: {  	s15 =	ssub.s32 $0x2, s15;
	_ =	strace $0x9000004C  }
0x28: {  	s14 =	simm.s32 $0x3;
	s16 =	sshrl.u32 s15, $0x1;
	_ =	strace $0x8000004D  }
0x29: {  	s16 =	ssub.s32 s15, s16;
	_ =	swait.ge [sflag:s14], $0x8000  }
0x2a: {  	s16 =	smax.u32 s16, $0x1;
	[sflag:s14] =	ssyncset.done $0x0  }
0x2b: {  	p0 =	sne.s32 s16, $0x1;
	[sflag:s14] =	ssyncadd.s32 $0xFFFF8000  }
.Ltmp0:
0x2c: {  	_ =	strace $0x9000004D;
	(pc) =	sbr.rel @!p0 .LBB2_2-.Ltmp0, $4  }
0x2d: {  	s15 =	simm.s32 $0x4;
	_ =	strace $0x8000004E  }
0x2e: {  	_ =	swait.ge [sflag:s15], $0x8000  }
0x2f: {  	[sflag:s15] =	ssyncset.done $0x0  }
0x30: {  	s16 =	sadd.s32 $0xFFFFFFFF, s16;
	[sflag:s15] =	ssyncadd.s32 $0xFFFF8000  }
.LBB2_1:
0x31: {  	p0 =	sne.s32 s16, $0x1;
	s16 =	sadd.s32 $0xFFFFFFFF, s16;
	_ =	strace $0x9000004E  }
0x32: {  	_ =	strace $0x80000048  }
0x33: {  	[tilespmem:s2], [sflag:$0x1] =	stream.linear.gather [hbm4b:s3+s2], $0x100, $0x200038;
	[tilespmem:$0x10200] =	vst v63  }
0x34: {  	_ =	strace $0x90000048  }
0x35: {  	_ =	strace $0x80000049  }
0x36: {  	[tilespmem:s5], [sflag:$0x2] =	stream.linear.gather [hbm4b:s4+s2], $0x100, $0x200038;
	[tilespmem:$0x10200] =	vst v63  }
0x37: {  	_ =	strace $0x90000049  }
0x38: {  	_ =	strace $0x8000004A  }
0x39: {  	_ =	swait.ge [sflag:s6], $0x100  }
0x3a: {  	[sflag:s6] =	ssyncset.done $0x0  }
0x3b: {  	[sflag:s6] =	ssyncadd.s32 $0xFFFFFF00  }
0x3c: {  	_ =	strace $0x9000004A  }
0x3d: {  	_ =	strace $0x8000004B  }
0x3e: {  	[tilespmem:s8], [sflag:$0x5] =	stream.indirect.gather [hbm4b:s7+s5], $0x80, s2, s5, $0x2000b8;
	[tilespmem:$0x10200] =	vst v63  }
0x3f: {  	_ =	swait.ge [sflag:s9], $0x8000  }
0x40: {  	[sflag:s9] =	ssyncset.done $0x0  }
0x41: {  	[sflag:s9] =	ssyncadd.s32 $0xFFFF8000  }
0x42: {  	_ =	strace $0x9000004B  }
0x43: {  	_ =	strace $0x8000004C  }
0x44: {  	[hbm4b:s10+s2] =	stream.linear.scatter [tilespmem:s8], [sflag:$0x3], $0x8000, $0x200038;
	[tilespmem:$0x10200] =	vst v63  }
0x45: {  	_ =	strace $0x9000004C  }
0x46: {  	_ =	strace $0x8000004A  }
0x47: {  	_ =	swait.ge [sflag:s11], $0x100  }
0x48: {  	[sflag:s11] =	ssyncset.done $0x0  }
0x49: {  	[sflag:s11] =	ssyncadd.s32 $0xFFFFFF00  }
0x4a: {  	_ =	strace $0x9000004A  }
0x4b: {  	_ =	strace $0x8000004B  }
0x4c: {  	[tilespmem:s12], [sflag:$0x5] =	stream.indirect.gather [hbm4b:s7+s5], $0x80, s5, s5, $0x2000b8;
	[tilespmem:$0x10200] =	vst v63  }
0x4d: {  	_ =	swait.ge [sflag:s9], $0x8000  }
0x4e: {  	[sflag:s9] =	ssyncset.done $0x0  }
0x4f: {  	[sflag:s9] =	ssyncadd.s32 $0xFFFF8000  }
0x50: {  	_ =	strace $0x9000004B  }
0x51: {  	_ =	strace $0x8000004C  }
0x52: {  	[hbm4b:s13+s2] =	stream.linear.scatter [tilespmem:s12], [sflag:$0x4], $0x8000, $0x200038;
	[tilespmem:$0x10200] =	vst v63  }
0x53: {  	_ =	strace $0x9000004C  }
0x54: {  	_ =	strace $0x8000004D  }
0x55: {  	_ =	swait.ge [sflag:s14], $0x8000  }
0x56: {  	[sflag:s14] =	ssyncset.done $0x0  }
0x57: {  	[sflag:s14] =	ssyncadd.s32 $0xFFFF8000  }
.Ltmp1:
0x58: {  	_ =	strace $0x9000004D;
	(pc) =	sbr.rel @p0 .LBB2_1-.Ltmp1, $4  }
0x59: {  	_ =	strace $0x8000004E  }
0x5a: {  	_ =	swait.ge [sflag:s15], $0x8000  }
0x5b: {  	[sflag:s15] =	ssyncset.done $0x0  }
0x5c: {  	[sflag:s15] =	ssyncadd.s32 $0xFFFF8000  }
.LBB2_2:
0x5d: {  	_ =	strace $0x9000004E  }
0x5e: {  	_ =	sfence.sel $0x180000  }
0x5f: {  	[bflag:$0x0] =	sbarrier.arrive $0xFFFF  }
0x60: {  	p0 =	sne.s32 s1, $0x0;
	_ =	strace $0x90000047  }
0x61: {  	s0 =	sadd.s32 @!p0 $0x100000, s0;
	[bflag:$0x2] =	sbarrier.arrive $0xFFFF  }
0x62: {  	[sflag:s0] =	ssyncadd.tile.s32 @!p0 $0x1;
	_ =	shalt  }
.Lfunc_end2:
_tile_overlayer_lowered:
.L_overlay_start_2:
0x63: {  	(tag) =	ssettag $0x2  }
0x64: {  	s0 =	rddreg [dreg:$0x0];
	s2 =	stileid.u32  }
0x65: {  	s1 =	rddreg [dreg:$0x1];
	p0 =	sne.s32 s2, $0x0  }
0x66: {  	s3 =	rddreg [dreg:$0x2];
	[bflag:$0x3] =	sbarrier.arrive $0xFFFF;
	s2 =	simm.s32 @!p0 $0x1C01  }
0x67: {  	[timem:s3], [sflag:s2] =	dma.local @!p0 [hbm:s0], s1  }
0x68: {  	s0 =	simm.s32 @!p0 $0x1  }
0x69: {  	_ =	swait.ge @!p0 [sflag:s0], s1  }
0x6a: {  	s1 =	ssub.s32 @!p0 $0x0, s1;
	[sflag:s0] =	ssyncset.done @!p0 $0x0  }
0x6b: {  	[sflag:s0] =	ssyncadd.s32 @!p0 s1  }
0x6c: {  	[bflag:$0x3] =	sbarrier.arrive $0xFFFF  }
0x6d: {  	_ =	shalt  }

</sc_bundles>
